<compile_context>
chip_gen: v7x
topology: tpu7x:2x2x1
jax: 0.10.2.dev20260603
libtpu: 0.0.44.dev20260713+nightly
codegen_flags: <defaults>
</compile_context>

<pallas_src>
import functools

import jax
import jax.numpy as jnp
from jax import lax
from jax.experimental import pallas as pl
from jax.experimental.pallas import tpu as pltpu
from jax.experimental.pallas import tpu_sc as plsc

D = 64
C = 128
NB = 5
KA = 3


def _sc_gather(words3, word_table):
    nw, chunks, c = words3.shape
    assert c == C and chunks % NB == 0 and chunks >= 2 * NB
    n = nw * chunks * C
    per_w = chunks * C
    rounds = chunks // NB

    mesh = plsc.VectorSubcoreMesh(core_axis_name="c", subcore_axis_name="s")
    info = plsc.get_sparse_core_info()
    nc = info.num_cores
    assert nw == nc * info.num_subcores

    @functools.partial(
        pl.kernel,
        out_type=jax.ShapeDtypeStruct((n, 2 * D), jnp.float32),
        mesh=mesh,
        compiler_params=pltpu.CompilerParams(use_tc_tiling_on_sc=False),
        scratch_types=[
            pltpu.VMEM((chunks, C), jnp.int32),
            pltpu.VMEM((NB, C, 2 * D), jnp.float32),
        ]
        + [pltpu.SemaphoreType.DMA] * (2 * NB + 1),
    )
    def k(words_hbm, wtab_hbm, w_out, idxw, rw, *sems):
        gsem = sems[:NB]
        wsem = sems[NB:2 * NB]
        isem = sems[2 * NB]
        wid = lax.axis_index("s") * nc + lax.axis_index("c")
        base = wid * per_w

        pltpu.async_copy(words_hbm.at[wid], idxw, isem).wait()

        def start_gather(cl, b):
            pltpu.async_copy(wtab_hbm.at[idxw.at[cl]], rw.at[b], gsem[b])

        def drain_gather(b):
            pltpu.make_async_copy(wtab_hbm.at[pl.ds(0, C)], rw.at[b],
                                  gsem[b]).wait()

        def start_write(off, b):
            pltpu.async_copy(rw.at[b], w_out.at[pl.ds(off, C)], wsem[b])

        def drain_write(b):
            pltpu.make_async_copy(rw.at[b], w_out.at[pl.ds(0, C)],
                                  wsem[b]).wait()

        for j in range(KA):
            start_gather(j, j)

        def round_body(r, carry):
            for b in range(NB):
                i = r * NB + b
                bg = (b + KA) % NB

                @pl.when(i + KA < chunks)
                def _():
                    @pl.when(i >= NB - KA)
                    def _():
                        drain_write(bg)
                    start_gather(i + KA, bg)

                drain_gather(b)
                start_write(base + i * C, b)
            return carry

        lax.fori_loop(0, rounds, round_body, 0)
        for b in range(NB):
            drain_write(b)

    return k(words3, word_table)


def _epilogue_body(w_ref, words_ref, feats_ref, ftab_ref,
                   sum_ref, feat_ref, mask_ref):
    wordm = w_ref[...].T[:D]
    f1 = feats_ref[0]
    bsz = f1.shape[1]
    onehot = (lax.broadcasted_iota(jnp.int32, (2 * D, bsz), 0) == f1).astype(
        jnp.float32)
    fe = jnp.dot(ftab_ref[...], onehot,
                 preferred_element_type=jnp.float32)
    sum_ref[...] = (wordm + fe)[None]
    feat_ref[...] = fe[None]
    mask_ref[...] = words_ref[...] != 0


def kernel(words, feats, word_table, feat_table):
    batch, seq = words.shape
    n = batch * seq
    nw = 32
    chunks = n // (nw * C)
    words_t = words.T
    feats_t = feats.T
    wtab128 = jnp.pad(word_table, ((0, 0), (0, D)))
    w_rows = _sc_gather(words_t.reshape(nw, chunks, C), wtab128)

    ftab_t = jnp.pad(feat_table, ((0, 2 * D - feat_table.shape[0]), (0, 0))).T
    st, ft, mask_t = pl.pallas_call(
        _epilogue_body,
        grid=(seq,),
        in_specs=[
            pl.BlockSpec((batch, 2 * D), lambda i: (i, 0)),
            pl.BlockSpec((1, 1, batch), lambda i: (i, 0, 0)),
            pl.BlockSpec((1, 1, batch), lambda i: (i, 0, 0)),
            pl.BlockSpec((D, 2 * D), lambda i: (0, 0)),
        ],
        out_specs=[
            pl.BlockSpec((1, D, batch), lambda i: (i, 0, 0)),
            pl.BlockSpec((1, D, batch), lambda i: (i, 0, 0)),
            pl.BlockSpec((1, 1, batch), lambda i: (i, 0, 0)),
        ],
        out_shape=[
            jax.ShapeDtypeStruct((seq, D, batch), jnp.float32),
            jax.ShapeDtypeStruct((seq, D, batch), jnp.float32),
            jax.ShapeDtypeStruct((seq, 1, batch), jnp.bool_),
        ],
    )(w_rows, words_t.reshape(seq, 1, batch),
      feats_t.reshape(seq, 1, batch), ftab_t)
    return (st.transpose(2, 0, 1), ft.transpose(2, 0, 1),
            mask_t.reshape(seq, batch).T, seq)

# --- scband reference (transcript-rebuilt; emitter-appended) ---
"""Pipeline reference for scband-embedding-layer-936302870844 (READ-ONLY COPY).

The authoritative reference and input builder live on the scoring server;
editing this copy changes nothing except your own understanding.
"""

import jax, jax.numpy as jnp
import numpy as np

N_WORDS = 1000000
N_FEATS = 100
D = 64
B = 4096
L = 200
PAD_INDEX = 0


def setup_inputs(seed: int = 0) -> dict:
    key = jax.random.key(seed)
    k1, k2, k3, k4 = jax.random.split(key, 4)
    words = jax.random.randint(k1, (B, L), 0, N_WORDS, dtype=jnp.int32)
    feats = jax.random.randint(k2, (B, L), 0, N_FEATS, dtype=jnp.int32)
    word_table = jax.random.normal(k3, (N_WORDS, D), dtype=jnp.float32) * 0.02
    feat_table = jax.random.normal(k4, (N_FEATS, D), dtype=jnp.float32) * 0.02
    return {"words": words, "feats": feats, "word_table": word_table, "feat_table": feat_table}


def reference(words, feats, word_table, feat_table):
    batch_size, seq_len = words.shape
    # mask of non-pad tokens
    mask = jnp.not_equal(words, PAD_INDEX)
    # no pretrained embed loaded -> ext_words == words
    word_embed = jnp.take(word_table, words, axis=0)
    # feat == 'tag' -> plain embedding lookup
    feat_embed = jnp.take(feat_table, feats, axis=0)
    # IndependentDropout with p=0.0 (inference) is identity
    word_embed = word_embed + feat_embed
    return (word_embed, feat_embed, mask, seq_len)

if __name__ == "__main__":
    import jax
    _d = setup_inputs()
    print(jax.jit(kernel)(*tuple(_d.values())))

</pallas_src>

<mosaic_0001>
#map = affine_map<(d0, d1) -> (0, 0, 0)>
#map1 = affine_map<(d0, d1) -> (0, 0)>
module attributes {stable_mosaic.version = 14 : i64} {
  func.func @k(%arg0: i32, %arg1: i32, %arg2: memref<32x200x128xi32, #tpu.memory_space<hbm>>, %arg3: memref<1000000x128xf32, #tpu.memory_space<hbm>>, %arg4: memref<819200x128xf32, #tpu.memory_space<hbm>>, %arg5: memref<200x128xi32, #tpu.memory_space<vmem>>, %arg6: memref<5x128x128xf32, #tpu.memory_space<vmem>>, %arg7: memref<!tpu.dma_semaphore, #tpu.memory_space<semaphore_mem>>, %arg8: memref<!tpu.dma_semaphore, #tpu.memory_space<semaphore_mem>>, %arg9: memref<!tpu.dma_semaphore, #tpu.memory_space<semaphore_mem>>, %arg10: memref<!tpu.dma_semaphore, #tpu.memory_space<semaphore_mem>>, %arg11: memref<!tpu.dma_semaphore, #tpu.memory_space<semaphore_mem>>, %arg12: memref<!tpu.dma_semaphore, #tpu.memory_space<semaphore_mem>>, %arg13: memref<!tpu.dma_semaphore, #tpu.memory_space<semaphore_mem>>, %arg14: memref<!tpu.dma_semaphore, #tpu.memory_space<semaphore_mem>>, %arg15: memref<!tpu.dma_semaphore, #tpu.memory_space<semaphore_mem>>, %arg16: memref<!tpu.dma_semaphore, #tpu.memory_space<semaphore_mem>>, %arg17: memref<!tpu.dma_semaphore, #tpu.memory_space<semaphore_mem>>) attributes {dimension_semantics = [#tpu.dimension_semantics<core_parallel>, #tpu.dimension_semantics<subcore_parallel>], iteration_bounds = array<i64: 2, 16>, scalar_prefetch = 0 : i64, scratch_operands = 13 : i64, tpu.core_type = #tpu.core_type<sc_vector_subcore>, window_params = [{transform_indices = #map}, {transform_indices = #map1}, {transform_indices = #map1}]} {
    %mul3A = arith.constant 2 : i32
    %mul3A_0 = arith.muli %arg1, %mul3A : i32
    %add3A = arith.addi %mul3A_0, %arg0 : i32
    %mul3A_1 = arith.constant 25600 : i32
    %mul3A_2 = arith.muli %add3A, %mul3A_1 : i32
    %dma_start3A = arith.constant 0 : i32
    %dma_start3A_3 = arith.constant 0 : i32
    %dma_start3A_4 = tpu.memref_slice %arg2[%add3A, %dma_start3A, %dma_start3A_3] : memref<32x200x128xi32, #tpu.memory_space<hbm>> -> memref<1x200x128xi32, #tpu.memory_space<hbm>>
    %dma_start3A_5 = tpu.memref_squeeze %dma_start3A_4 : memref<1x200x128xi32, #tpu.memory_space<hbm>> -> memref<200x128xi32, #tpu.memory_space<hbm>>
    %dma_start3A_6 = arith.constant 0 : i32
    %dma_start3A_7 = arith.constant 0 : i32
    %dma_start3A_8 = tpu.memref_slice %arg2[%add3A, %dma_start3A_6, %dma_start3A_7] : memref<32x200x128xi32, #tpu.memory_space<hbm>> -> memref<1x200x128xi32, #tpu.memory_space<hbm>>
    %dma_start3A_9 = tpu.memref_squeeze %dma_start3A_8 : memref<1x200x128xi32, #tpu.memory_space<hbm>> -> memref<200x128xi32, #tpu.memory_space<hbm>>
    tpu.enqueue_dma source(%dma_start3A_9 : memref<200x128xi32, #tpu.memory_space<hbm>>) target(%arg5 : memref<200x128xi32, #tpu.memory_space<vmem>>) target_semaphore(%arg17 : memref<!tpu.dma_semaphore, #tpu.memory_space<semaphore_mem>>)
    %dma_wait3A = arith.constant 0 : i32
    %dma_wait3A_10 = arith.constant 0 : i32
    %dma_wait3A_11 = tpu.memref_slice %arg2[%add3A, %dma_wait3A, %dma_wait3A_10] : memref<32x200x128xi32, #tpu.memory_space<hbm>> -> memref<1x200x128xi32, #tpu.memory_space<hbm>>
    %dma_wait3A_12 = tpu.memref_squeeze %dma_wait3A_11 : memref<1x200x128xi32, #tpu.memory_space<hbm>> -> memref<200x128xi32, #tpu.memory_space<hbm>>
    %dma_wait3A_13 = arith.constant 0 : i32
    %dma_wait3A_14 = arith.constant 0 : i32
    %dma_wait3A_15 = tpu.memref_slice %arg2[%add3A, %dma_wait3A_13, %dma_wait3A_14] : memref<32x200x128xi32, #tpu.memory_space<hbm>> -> memref<1x200x128xi32, #tpu.memory_space<hbm>>
    %dma_wait3A_16 = tpu.memref_squeeze %dma_wait3A_15 : memref<1x200x128xi32, #tpu.memory_space<hbm>> -> memref<200x128xi32, #tpu.memory_space<hbm>>
    tpu.wait_dma2 semaphore(%arg17 : memref<!tpu.dma_semaphore, #tpu.memory_space<semaphore_mem>>) src(%dma_wait3A_16 : memref<200x128xi32, #tpu.memory_space<hbm>>) dst(%arg5 : memref<200x128xi32, #tpu.memory_space<vmem>>)
    %dma_start3A_17 = arith.constant 0 : i32
    %dma_start3A_18 = arith.constant 0 : i32
    %dma_start3A_19 = arith.constant 0 : i32
    %dma_start3A_20 = arith.constant 0 : i32
    %dma_start3A_21 = tpu.memref_slice %arg6[%dma_start3A_18, %dma_start3A_19, %dma_start3A_20] : memref<5x128x128xf32, #tpu.memory_space<vmem>> -> memref<1x128x128xf32, #tpu.memory_space<vmem>>
    %dma_start3A_22 = tpu.memref_squeeze %dma_start3A_21 : memref<1x128x128xf32, #tpu.memory_space<vmem>> -> memref<128x128xf32, #tpu.memory_space<vmem>>
    %dma_start3A_23 = arith.constant 0 : i32
    %dma_start3A_24 = tpu.memref_slice %arg5[%dma_start3A_17, %dma_start3A_23] : memref<200x128xi32, #tpu.memory_space<vmem>> -> memref<1x128xi32, #tpu.memory_space<vmem>>
    %dma_start3A_25 = tpu.memref_squeeze %dma_start3A_24 : memref<1x128xi32, #tpu.memory_space<vmem>> -> memref<128xi32, #tpu.memory_space<vmem>>
    %dma_start3A_26 = arith.constant 0 : i32
    %dma_start3A_27 = arith.constant 0 : i32
    %dma_start3A_28 = tpu.memref_slice %arg3[%dma_start3A_26, %dma_start3A_27] : memref<1000000x128xf32, #tpu.memory_space<hbm>> -> memref<1000000x128xf32, #tpu.memory_space<hbm>>
    tpu.enqueue_indirect_dma source(%dma_start3A_28 : memref<1000000x128xf32, #tpu.memory_space<hbm>>) target(%dma_start3A_22 : memref<128x128xf32, #tpu.memory_space<vmem>>) offsets(%dma_start3A_25 : memref<128xi32, #tpu.memory_space<vmem>>) semaphore(%arg7 : memref<!tpu.dma_semaphore, #tpu.memory_space<semaphore_mem>>)
    %dma_start3A_29 = arith.constant 1 : i32
    %dma_start3A_30 = arith.constant 1 : i32
    %dma_start3A_31 = arith.constant 0 : i32
    %dma_start3A_32 = arith.constant 0 : i32
    %dma_start3A_33 = tpu.memref_slice %arg6[%dma_start3A_30, %dma_start3A_31, %dma_start3A_32] : memref<5x128x128xf32, #tpu.memory_space<vmem>> -> memref<1x128x128xf32, #tpu.memory_space<vmem>>
    %dma_start3A_34 = tpu.memref_squeeze %dma_start3A_33 : memref<1x128x128xf32, #tpu.memory_space<vmem>> -> memref<128x128xf32, #tpu.memory_space<vmem>>
    %dma_start3A_35 = arith.constant 0 : i32
    %dma_start3A_36 = tpu.memref_slice %arg5[%dma_start3A_29, %dma_start3A_35] : memref<200x128xi32, #tpu.memory_space<vmem>> -> memref<1x128xi32, #tpu.memory_space<vmem>>
    %dma_start3A_37 = tpu.memref_squeeze %dma_start3A_36 : memref<1x128xi32, #tpu.memory_space<vmem>> -> memref<128xi32, #tpu.memory_space<vmem>>
    %dma_start3A_38 = arith.constant 0 : i32
    %dma_start3A_39 = arith.constant 0 : i32
    %dma_start3A_40 = tpu.memref_slice %arg3[%dma_start3A_38, %dma_start3A_39] : memref<1000000x128xf32, #tpu.memory_space<hbm>> -> memref<1000000x128xf32, #tpu.memory_space<hbm>>
    tpu.enqueue_indirect_dma source(%dma_start3A_40 : memref<1000000x128xf32, #tpu.memory_space<hbm>>) target(%dma_start3A_34 : memref<128x128xf32, #tpu.memory_space<vmem>>) offsets(%dma_start3A_37 : memref<128xi32, #tpu.memory_space<vmem>>) semaphore(%arg8 : memref<!tpu.dma_semaphore, #tpu.memory_space<semaphore_mem>>)
    %dma_start3A_41 = arith.constant 2 : i32
    %dma_start3A_42 = arith.constant 2 : i32
    %dma_start3A_43 = arith.constant 0 : i32
    %dma_start3A_44 = arith.constant 0 : i32
    %dma_start3A_45 = tpu.memref_slice %arg6[%dma_start3A_42, %dma_start3A_43, %dma_start3A_44] : memref<5x128x128xf32, #tpu.memory_space<vmem>> -> memref<1x128x128xf32, #tpu.memory_space<vmem>>
    %dma_start3A_46 = tpu.memref_squeeze %dma_start3A_45 : memref<1x128x128xf32, #tpu.memory_space<vmem>> -> memref<128x128xf32, #tpu.memory_space<vmem>>
    %dma_start3A_47 = arith.constant 0 : i32
    %dma_start3A_48 = tpu.memref_slice %arg5[%dma_start3A_41, %dma_start3A_47] : memref<200x128xi32, #tpu.memory_space<vmem>> -> memref<1x128xi32, #tpu.memory_space<vmem>>
    %dma_start3A_49 = tpu.memref_squeeze %dma_start3A_48 : memref<1x128xi32, #tpu.memory_space<vmem>> -> memref<128xi32, #tpu.memory_space<vmem>>
    %dma_start3A_50 = arith.constant 0 : i32
    %dma_start3A_51 = arith.constant 0 : i32
    %dma_start3A_52 = tpu.memref_slice %arg3[%dma_start3A_50, %dma_start3A_51] : memref<1000000x128xf32, #tpu.memory_space<hbm>> -> memref<1000000x128xf32, #tpu.memory_space<hbm>>
    tpu.enqueue_indirect_dma source(%dma_start3A_52 : memref<1000000x128xf32, #tpu.memory_space<hbm>>) target(%dma_start3A_46 : memref<128x128xf32, #tpu.memory_space<vmem>>) offsets(%dma_start3A_49 : memref<128xi32, #tpu.memory_space<vmem>>) semaphore(%arg9 : memref<!tpu.dma_semaphore, #tpu.memory_space<semaphore_mem>>)
    %scan3A = arith.constant 0 : i32
    %scan3A_53 = arith.constant 0 : i32
    %scan3A_54 = arith.constant 40 : i32
    %scan3A_55 = arith.addi %scan3A_53, %scan3A_54 : i32
    %scan3A_56 = arith.constant 1 : i32
    scf.for %scan3A_133 = %scan3A_53 to %scan3A_55 step %scan3A_56  : i32 {
      %mul3A_134 = arith.constant 5 : i32
      %mul3A_135 = arith.muli %scan3A_133, %mul3A_134 : i32
      %add3A_136 = arith.constant 0 : i32
      %add3A_137 = arith.addi %mul3A_135, %add3A_136 : i32
      %add3A_138 = arith.constant 3 : i32
      %add3A_139 = arith.addi %add3A_137, %add3A_138 : i32
      %lt3A = arith.constant 200 : i32
      %lt3A_140 = arith.cmpi slt, %add3A_139, %lt3A : i32
      %convert_element_type3A = arith.extui %lt3A_140 : i1 to i32
      %cond3A = arith.constant 0 : i32
      %cond3A_141 = arith.cmpi ne, %convert_element_type3A, %cond3A : i32
      scf.if %cond3A_141 {
        %ge3A = arith.constant 2 : i32
        %ge3A_341 = arith.cmpi sge, %add3A_137, %ge3A : i32
        %convert_element_type3A_342 = arith.extui %ge3A_341 : i1 to i32
        %cond3A_343 = arith.constant 0 : i32
        %cond3A_344 = arith.cmpi ne, %convert_element_type3A_342, %cond3A_343 : i32
        scf.if %cond3A_344 {
          %dma_wait3A_358 = arith.constant 3 : i32
          %dma_wait3A_359 = arith.constant 0 : i32
          %dma_wait3A_360 = arith.constant 0 : i32
          %dma_wait3A_361 = tpu.memref_slice %arg6[%dma_wait3A_358, %dma_wait3A_359, %dma_wait3A_360] : memref<5x128x128xf32, #tpu.memory_space<vmem>> -> memref<1x128x128xf32, #tpu.memory_space<vmem>>
          %dma_wait3A_362 = tpu.memref_squeeze %dma_wait3A_361 : memref<1x128x128xf32, #tpu.memory_space<vmem>> -> memref<128x128xf32, #tpu.memory_space<vmem>>
          %dma_wait3A_363 = arith.constant 0 : i32
          %dma_wait3A_364 = arith.constant 0 : i32
          %dma_wait3A_365 = tpu.memref_slice %arg4[%dma_wait3A_363, %dma_wait3A_364] : memref<819200x128xf32, #tpu.memory_space<hbm>> -> memref<128x128xf32, #tpu.memory_space<hbm>>
          %dma_wait3A_366 = arith.constant 0 : i32
          %dma_wait3A_367 = arith.constant 0 : i32
          %dma_wait3A_368 = tpu.memref_slice %arg4[%dma_wait3A_366, %dma_wait3A_367] : memref<819200x128xf32, #tpu.memory_space<hbm>> -> memref<128x128xf32, #tpu.memory_space<hbm>>
          %dma_wait3A_369 = arith.constant 0 : i32
          %dma_wait3A_370 = arith.constant 0 : i32
          %dma_wait3A_371 = tpu.memref_slice %arg6[%dma_wait3A_358, %dma_wait3A_369, %dma_wait3A_370] : memref<5x128x128xf32, #tpu.memory_space<vmem>> -> memref<1x128x128xf32, #tpu.memory_space<vmem>>
          %dma_wait3A_372 = tpu.memref_squeeze %dma_wait3A_371 : memref<1x128x128xf32, #tpu.memory_space<vmem>> -> memref<128x128xf32, #tpu.memory_space<vmem>>
          tpu.wait_dma2 semaphore(%arg15 : memref<!tpu.dma_semaphore, #tpu.memory_space<semaphore_mem>>) src(%dma_wait3A_372 : memref<128x128xf32, #tpu.memory_space<vmem>>) dst(%dma_wait3A_368 : memref<128x128xf32, #tpu.memory_space<hbm>>)
        } else {
        }
        %add3A_345 = arith.constant 3 : i32
        %add3A_346 = arith.addi %add3A_137, %add3A_345 : i32
        %dma_start3A_347 = arith.constant 3 : i32
        %dma_start3A_348 = arith.constant 0 : i32
        %dma_start3A_349 = arith.constant 0 : i32
        %dma_start3A_350 = tpu.memref_slice %arg6[%dma_start3A_347, %dma_start3A_348, %dma_start3A_349] : memref<5x128x128xf32, #tpu.memory_space<vmem>> -> memref<1x128x128xf32, #tpu.memory_space<vmem>>
        %dma_start3A_351 = tpu.memref_squeeze %dma_start3A_350 : memref<1x128x128xf32, #tpu.memory_space<vmem>> -> memref<128x128xf32, #tpu.memory_space<vmem>>
        %dma_start3A_352 = arith.constant 0 : i32
        %dma_start3A_353 = tpu.memref_slice %arg5[%add3A_346, %dma_start3A_352] : memref<200x128xi32, #tpu.memory_space<vmem>> -> memref<1x128xi32, #tpu.memory_space<vmem>>
        %dma_start3A_354 = tpu.memref_squeeze %dma_start3A_353 : memref<1x128xi32, #tpu.memory_space<vmem>> -> memref<128xi32, #tpu.memory_space<vmem>>
        %dma_start3A_355 = arith.constant 0 : i32
        %dma_start3A_356 = arith.constant 0 : i32
        %dma_start3A_357 = tpu.memref_slice %arg3[%dma_start3A_355, %dma_start3A_356] : memref<1000000x128xf32, #tpu.memory_space<hbm>> -> memref<1000000x128xf32, #tpu.memory_space<hbm>>
        tpu.enqueue_indirect_dma source(%dma_start3A_357 : memref<1000000x128xf32, #tpu.memory_space<hbm>>) target(%dma_start3A_351 : memref<128x128xf32, #tpu.memory_space<vmem>>) offsets(%dma_start3A_354 : memref<128xi32, #tpu.memory_space<vmem>>) semaphore(%arg10 : memref<!tpu.dma_semaphore, #tpu.memory_space<semaphore_mem>>)
      } else {
      }
      %dma_wait3A_142 = arith.constant 0 : i32
      %dma_wait3A_143 = arith.constant 0 : i32
      %dma_wait3A_144 = arith.constant 0 : i32
      %dma_wait3A_145 = tpu.memref_slice %arg6[%dma_wait3A_142, %dma_wait3A_143, %dma_wait3A_144] : memref<5x128x128xf32, #tpu.memory_space<vmem>> -> memref<1x128x128xf32, #tpu.memory_space<vmem>>
      %dma_wait3A_146 = tpu.memref_squeeze %dma_wait3A_145 : memref<1x128x128xf32, #tpu.memory_space<vmem>> -> memref<128x128xf32, #tpu.memory_space<vmem>>
      %dma_wait3A_147 = arith.constant 0 : i32
      %dma_wait3A_148 = arith.constant 0 : i32
      %dma_wait3A_149 = tpu.memref_slice %arg3[%dma_wait3A_147, %dma_wait3A_148] : memref<1000000x128xf32, #tpu.memory_space<hbm>> -> memref<128x128xf32, #tpu.memory_space<hbm>>
      %dma_wait3A_150 = arith.constant 0 : i32
      %dma_wait3A_151 = arith.constant 0 : i32
      %dma_wait3A_152 = tpu.memref_slice %arg6[%dma_wait3A_142, %dma_wait3A_150, %dma_wait3A_151] : memref<5x128x128xf32, #tpu.memory_space<vmem>> -> memref<1x128x128xf32, #tpu.memory_space<vmem>>
      %dma_wait3A_153 = tpu.memref_squeeze %dma_wait3A_152 : memref<1x128x128xf32, #tpu.memory_space<vmem>> -> memref<128x128xf32, #tpu.memory_space<vmem>>
      %dma_wait3A_154 = arith.constant 0 : i32
      %dma_wait3A_155 = arith.constant 0 : i32
      %dma_wait3A_156 = tpu.memref_slice %arg3[%dma_wait3A_154, %dma_wait3A_155] : memref<1000000x128xf32, #tpu.memory_space<hbm>> -> memref<128x128xf32, #tpu.memory_space<hbm>>
      tpu.wait_dma2 semaphore(%arg7 : memref<!tpu.dma_semaphore, #tpu.memory_space<semaphore_mem>>) src(%dma_wait3A_156 : memref<128x128xf32, #tpu.memory_space<hbm>>) dst(%dma_wait3A_153 : memref<128x128xf32, #tpu.memory_space<vmem>>)
      %mul3A_157 = arith.constant 128 : i32
      %mul3A_158 = arith.muli %add3A_137, %mul3A_157 : i32
      %add3A_159 = arith.addi %mul3A_2, %mul3A_158 : i32
      %dma_start3A_160 = arith.constant 0 : i32
      %dma_start3A_161 = arith.constant 0 : i32
      %dma_start3A_162 = arith.constant 0 : i32
      %dma_start3A_163 = tpu.memref_slice %arg6[%dma_start3A_160, %dma_start3A_161, %dma_start3A_162] : memref<5x128x128xf32, #tpu.memory_space<vmem>> -> memref<1x128x128xf32, #tpu.memory_space<vmem>>
      %dma_start3A_164 = tpu.memref_squeeze %dma_start3A_163 : memref<1x128x128xf32, #tpu.memory_space<vmem>> -> memref<128x128xf32, #tpu.memory_space<vmem>>
      %dma_start3A_165 = arith.constant 0 : i32
      %dma_start3A_166 = tpu.memref_slice %arg4[%add3A_159, %dma_start3A_165] : memref<819200x128xf32, #tpu.memory_space<hbm>> -> memref<128x128xf32, #tpu.memory_space<hbm>>
      %dma_start3A_167 = arith.constant 0 : i32
      %dma_start3A_168 = tpu.memref_slice %arg4[%add3A_159, %dma_start3A_167] : memref<819200x128xf32, #tpu.memory_space<hbm>> -> memref<128x128xf32, #tpu.memory_space<hbm>>
      %dma_start3A_169 = arith.constant 0 : i32
      %dma_start3A_170 = arith.constant 0 : i32
      %dma_start3A_171 = tpu.memref_slice %arg6[%dma_start3A_160, %dma_start3A_169, %dma_start3A_170] : memref<5x128x128xf32, #tpu.memory_space<vmem>> -> memref<1x128x128xf32, #tpu.memory_space<vmem>>
      %dma_start3A_172 = tpu.memref_squeeze %dma_start3A_171 : memref<1x128x128xf32, #tpu.memory_space<vmem>> -> memref<128x128xf32, #tpu.memory_space<vmem>>
      tpu.enqueue_dma source(%dma_start3A_172 : memref<128x128xf32, #tpu.memory_space<vmem>>) target(%dma_start3A_168 : memref<128x128xf32, #tpu.memory_space<hbm>>) target_semaphore(%arg12 : memref<!tpu.dma_semaphore, #tpu.memory_space<semaphore_mem>>)
      %mul3A_173 = arith.constant 5 : i32
      %mul3A_174 = arith.muli %scan3A_133, %mul3A_173 : i32
      %add3A_175 = arith.constant 1 : i32
      %add3A_176 = arith.addi %mul3A_174, %add3A_175 : i32
      %add3A_177 = arith.constant 3 : i32
      %add3A_178 = arith.addi %add3A_176, %add3A_177 : i32
      %lt3A_179 = arith.constant 200 : i32
      %lt3A_180 = arith.cmpi slt, %add3A_178, %lt3A_179 : i32
      %convert_element_type3A_181 = arith.extui %lt3A_180 : i1 to i32
      %cond3A_182 = arith.constant 0 : i32
      %cond3A_183 = arith.cmpi ne, %convert_element_type3A_181, %cond3A_182 : i32
      scf.if %cond3A_183 {
        %ge3A = arith.constant 2 : i32
        %ge3A_341 = arith.cmpi sge, %add3A_176, %ge3A : i32
        %convert_element_type3A_342 = arith.extui %ge3A_341 : i1 to i32
        %cond3A_343 = arith.constant 0 : i32
        %cond3A_344 = arith.cmpi ne, %convert_element_type3A_342, %cond3A_343 : i32
        scf.if %cond3A_344 {
          %dma_wait3A_358 = arith.constant 4 : i32
          %dma_wait3A_359 = arith.constant 0 : i32
          %dma_wait3A_360 = arith.constant 0 : i32
          %dma_wait3A_361 = tpu.memref_slice %arg6[%dma_wait3A_358, %dma_wait3A_359, %dma_wait3A_360] : memref<5x128x128xf32, #tpu.memory_space<vmem>> -> memref<1x128x128xf32, #tpu.memory_space<vmem>>
          %dma_wait3A_362 = tpu.memref_squeeze %dma_wait3A_361 : memref<1x128x128xf32, #tpu.memory_space<vmem>> -> memref<128x128xf32, #tpu.memory_space<vmem>>
          %dma_wait3A_363 = arith.constant 0 : i32
          %dma_wait3A_364 = arith.constant 0 : i32
          %dma_wait3A_365 = tpu.memref_slice %arg4[%dma_wait3A_363, %dma_wait3A_364] : memref<819200x128xf32, #tpu.memory_space<hbm>> -> memref<128x128xf32, #tpu.memory_space<hbm>>
          %dma_wait3A_366 = arith.constant 0 : i32
          %dma_wait3A_367 = arith.constant 0 : i32
          %dma_wait3A_368 = tpu.memref_slice %arg4[%dma_wait3A_366, %dma_wait3A_367] : memref<819200x128xf32, #tpu.memory_space<hbm>> -> memref<128x128xf32, #tpu.memory_space<hbm>>
          %dma_wait3A_369 = arith.constant 0 : i32
          %dma_wait3A_370 = arith.constant 0 : i32
          %dma_wait3A_371 = tpu.memref_slice %arg6[%dma_wait3A_358, %dma_wait3A_369, %dma_wait3A_370] : memref<5x128x128xf32, #tpu.memory_space<vmem>> -> memref<1x128x128xf32, #tpu.memory_space<vmem>>
          %dma_wait3A_372 = tpu.memref_squeeze %dma_wait3A_371 : memref<1x128x128xf32, #tpu.memory_space<vmem>> -> memref<128x128xf32, #tpu.memory_space<vmem>>
          tpu.wait_dma2 semaphore(%arg16 : memref<!tpu.dma_semaphore, #tpu.memory_space<semaphore_mem>>) src(%dma_wait3A_372 : memref<128x128xf32, #tpu.memory_space<vmem>>) dst(%dma_wait3A_368 : memref<128x128xf32, #tpu.memory_space<hbm>>)
        } else {
        }
        %add3A_345 = arith.constant 3 : i32
        %add3A_346 = arith.addi %add3A_176, %add3A_345 : i32
        %dma_start3A_347 = arith.constant 4 : i32
        %dma_start3A_348 = arith.constant 0 : i32
        %dma_start3A_349 = arith.constant 0 : i32
        %dma_start3A_350 = tpu.memref_slice %arg6[%dma_start3A_347, %dma_start3A_348, %dma_start3A_349] : memref<5x128x128xf32, #tpu.memory_space<vmem>> -> memref<1x128x128xf32, #tpu.memory_space<vmem>>
        %dma_start3A_351 = tpu.memref_squeeze %dma_start3A_350 : memref<1x128x128xf32, #tpu.memory_space<vmem>> -> memref<128x128xf32, #tpu.memory_space<vmem>>
        %dma_start3A_352 = arith.constant 0 : i32
        %dma_start3A_353 = tpu.memref_slice %arg5[%add3A_346, %dma_start3A_352] : memref<200x128xi32, #tpu.memory_space<vmem>> -> memref<1x128xi32, #tpu.memory_space<vmem>>
        %dma_start3A_354 = tpu.memref_squeeze %dma_start3A_353 : memref<1x128xi32, #tpu.memory_space<vmem>> -> memref<128xi32, #tpu.memory_space<vmem>>
        %dma_start3A_355 = arith.constant 0 : i32
        %dma_start3A_356 = arith.constant 0 : i32
        %dma_start3A_357 = tpu.memref_slice %arg3[%dma_start3A_355, %dma_start3A_356] : memref<1000000x128xf32, #tpu.memory_space<hbm>> -> memref<1000000x128xf32, #tpu.memory_space<hbm>>
        tpu.enqueue_indirect_dma source(%dma_start3A_357 : memref<1000000x128xf32, #tpu.memory_space<hbm>>) target(%dma_start3A_351 : memref<128x128xf32, #tpu.memory_space<vmem>>) offsets(%dma_start3A_354 : memref<128xi32, #tpu.memory_space<vmem>>) semaphore(%arg11 : memref<!tpu.dma_semaphore, #tpu.memory_space<semaphore_mem>>)
      } else {
      }
      %dma_wait3A_184 = arith.constant 1 : i32
      %dma_wait3A_185 = arith.constant 0 : i32
      %dma_wait3A_186 = arith.constant 0 : i32
      %dma_wait3A_187 = tpu.memref_slice %arg6[%dma_wait3A_184, %dma_wait3A_185, %dma_wait3A_186] : memref<5x128x128xf32, #tpu.memory_space<vmem>> -> memref<1x128x128xf32, #tpu.memory_space<vmem>>
      %dma_wait3A_188 = tpu.memref_squeeze %dma_wait3A_187 : memref<1x128x128xf32, #tpu.memory_space<vmem>> -> memref<128x128xf32, #tpu.memory_space<vmem>>
      %dma_wait3A_189 = arith.constant 0 : i32
      %dma_wait3A_190 = arith.constant 0 : i32
      %dma_wait3A_191 = tpu.memref_slice %arg3[%dma_wait3A_189, %dma_wait3A_190] : memref<1000000x128xf32, #tpu.memory_space<hbm>> -> memref<128x128xf32, #tpu.memory_space<hbm>>
      %dma_wait3A_192 = arith.constant 0 : i32
      %dma_wait3A_193 = arith.constant 0 : i32
      %dma_wait3A_194 = tpu.memref_slice %arg6[%dma_wait3A_184, %dma_wait3A_192, %dma_wait3A_193] : memref<5x128x128xf32, #tpu.memory_space<vmem>> -> memref<1x128x128xf32, #tpu.memory_space<vmem>>
      %dma_wait3A_195 = tpu.memref_squeeze %dma_wait3A_194 : memref<1x128x128xf32, #tpu.memory_space<vmem>> -> memref<128x128xf32, #tpu.memory_space<vmem>>
      %dma_wait3A_196 = arith.constant 0 : i32
      %dma_wait3A_197 = arith.constant 0 : i32
      %dma_wait3A_198 = tpu.memref_slice %arg3[%dma_wait3A_196, %dma_wait3A_197] : memref<1000000x128xf32, #tpu.memory_space<hbm>> -> memref<128x128xf32, #tpu.memory_space<hbm>>
      tpu.wait_dma2 semaphore(%arg8 : memref<!tpu.dma_semaphore, #tpu.memory_space<semaphore_mem>>) src(%dma_wait3A_198 : memref<128x128xf32, #tpu.memory_space<hbm>>) dst(%dma_wait3A_195 : memref<128x128xf32, #tpu.memory_space<vmem>>)
      %mul3A_199 = arith.constant 128 : i32
      %mul3A_200 = arith.muli %add3A_176, %mul3A_199 : i32
      %add3A_201 = arith.addi %mul3A_2, %mul3A_200 : i32
      %dma_start3A_202 = arith.constant 1 : i32
      %dma_start3A_203 = arith.constant 0 : i32
      %dma_start3A_204 = arith.constant 0 : i32
      %dma_start3A_205 = tpu.memref_slice %arg6[%dma_start3A_202, %dma_start3A_203, %dma_start3A_204] : memref<5x128x128xf32, #tpu.memory_space<vmem>> -> memref<1x128x128xf32, #tpu.memory_space<vmem>>
      %dma_start3A_206 = tpu.memref_squeeze %dma_start3A_205 : memref<1x128x128xf32, #tpu.memory_space<vmem>> -> memref<128x128xf32, #tpu.memory_space<vmem>>
      %dma_start3A_207 = arith.constant 0 : i32
      %dma_start3A_208 = tpu.memref_slice %arg4[%add3A_201, %dma_start3A_207] : memref<819200x128xf32, #tpu.memory_space<hbm>> -> memref<128x128xf32, #tpu.memory_space<hbm>>
      %dma_start3A_209 = arith.constant 0 : i32
      %dma_start3A_210 = tpu.memref_slice %arg4[%add3A_201, %dma_start3A_209] : memref<819200x128xf32, #tpu.memory_space<hbm>> -> memref<128x128xf32, #tpu.memory_space<hbm>>
      %dma_start3A_211 = arith.constant 0 : i32
      %dma_start3A_212 = arith.constant 0 : i32
      %dma_start3A_213 = tpu.memref_slice %arg6[%dma_start3A_202, %dma_start3A_211, %dma_start3A_212] : memref<5x128x128xf32, #tpu.memory_space<vmem>> -> memref<1x128x128xf32, #tpu.memory_space<vmem>>
      %dma_start3A_214 = tpu.memref_squeeze %dma_start3A_213 : memref<1x128x128xf32, #tpu.memory_space<vmem>> -> memref<128x128xf32, #tpu.memory_space<vmem>>
      tpu.enqueue_dma source(%dma_start3A_214 : memref<128x128xf32, #tpu.memory_space<vmem>>) target(%dma_start3A_210 : memref<128x128xf32, #tpu.memory_space<hbm>>) target_semaphore(%arg13 : memref<!tpu.dma_semaphore, #tpu.memory_space<semaphore_mem>>)
      %mul3A_215 = arith.constant 5 : i32
      %mul3A_216 = arith.muli %scan3A_133, %mul3A_215 : i32
      %add3A_217 = arith.constant 2 : i32
      %add3A_218 = arith.addi %mul3A_216, %add3A_217 : i32
      %add3A_219 = arith.constant 3 : i32
      %add3A_220 = arith.addi %add3A_218, %add3A_219 : i32
      %lt3A_221 = arith.constant 200 : i32
      %lt3A_222 = arith.cmpi slt, %add3A_220, %lt3A_221 : i32
      %convert_element_type3A_223 = arith.extui %lt3A_222 : i1 to i32
      %cond3A_224 = arith.constant 0 : i32
      %cond3A_225 = arith.cmpi ne, %convert_element_type3A_223, %cond3A_224 : i32
      scf.if %cond3A_225 {
        %ge3A = arith.constant 2 : i32
        %ge3A_341 = arith.cmpi sge, %add3A_218, %ge3A : i32
        %convert_element_type3A_342 = arith.extui %ge3A_341 : i1 to i32
        %cond3A_343 = arith.constant 0 : i32
        %cond3A_344 = arith.cmpi ne, %convert_element_type3A_342, %cond3A_343 : i32
        scf.if %cond3A_344 {
          %dma_wait3A_358 = arith.constant 0 : i32
          %dma_wait3A_359 = arith.constant 0 : i32
          %dma_wait3A_360 = arith.constant 0 : i32
          %dma_wait3A_361 = tpu.memref_slice %arg6[%dma_wait3A_358, %dma_wait3A_359, %dma_wait3A_360] : memref<5x128x128xf32, #tpu.memory_space<vmem>> -> memref<1x128x128xf32, #tpu.memory_space<vmem>>
          %dma_wait3A_362 = tpu.memref_squeeze %dma_wait3A_361 : memref<1x128x128xf32, #tpu.memory_space<vmem>> -> memref<128x128xf32, #tpu.memory_space<vmem>>
          %dma_wait3A_363 = arith.constant 0 : i32
          %dma_wait3A_364 = arith.constant 0 : i32
          %dma_wait3A_365 = tpu.memref_slice %arg4[%dma_wait3A_363, %dma_wait3A_364] : memref<819200x128xf32, #tpu.memory_space<hbm>> -> memref<128x128xf32, #tpu.memory_space<hbm>>
          %dma_wait3A_366 = arith.constant 0 : i32
          %dma_wait3A_367 = arith.constant 0 : i32
          %dma_wait3A_368 = tpu.memref_slice %arg4[%dma_wait3A_366, %dma_wait3A_367] : memref<819200x128xf32, #tpu.memory_space<hbm>> -> memref<128x128xf32, #tpu.memory_space<hbm>>
          %dma_wait3A_369 = arith.constant 0 : i32
          %dma_wait3A_370 = arith.constant 0 : i32
          %dma_wait3A_371 = tpu.memref_slice %arg6[%dma_wait3A_358, %dma_wait3A_369, %dma_wait3A_370] : memref<5x128x128xf32, #tpu.memory_space<vmem>> -> memref<1x128x128xf32, #tpu.memory_space<vmem>>
          %dma_wait3A_372 = tpu.memref_squeeze %dma_wait3A_371 : memref<1x128x128xf32, #tpu.memory_space<vmem>> -> memref<128x128xf32, #tpu.memory_space<vmem>>
          tpu.wait_dma2 semaphore(%arg12 : memref<!tpu.dma_semaphore, #tpu.memory_space<semaphore_mem>>) src(%dma_wait3A_372 : memref<128x128xf32, #tpu.memory_space<vmem>>) dst(%dma_wait3A_368 : memref<128x128xf32, #tpu.memory_space<hbm>>)
        } else {
        }
        %add3A_345 = arith.constant 3 : i32
        %add3A_346 = arith.addi %add3A_218, %add3A_345 : i32
        %dma_start3A_347 = arith.constant 0 : i32
        %dma_start3A_348 = arith.constant 0 : i32
        %dma_start3A_349 = arith.constant 0 : i32
        %dma_start3A_350 = tpu.memref_slice %arg6[%dma_start3A_347, %dma_start3A_348, %dma_start3A_349] : memref<5x128x128xf32, #tpu.memory_space<vmem>> -> memref<1x128x128xf32, #tpu.memory_space<vmem>>
        %dma_start3A_351 = tpu.memref_squeeze %dma_start3A_350 : memref<1x128x128xf32, #tpu.memory_space<vmem>> -> memref<128x128xf32, #tpu.memory_space<vmem>>
        %dma_start3A_352 = arith.constant 0 : i32
        %dma_start3A_353 = tpu.memref_slice %arg5[%add3A_346, %dma_start3A_352] : memref<200x128xi32, #tpu.memory_space<vmem>> -> memref<1x128xi32, #tpu.memory_space<vmem>>
        %dma_start3A_354 = tpu.memref_squeeze %dma_start3A_353 : memref<1x128xi32, #tpu.memory_space<vmem>> -> memref<128xi32, #tpu.memory_space<vmem>>
        %dma_start3A_355 = arith.constant 0 : i32
        %dma_start3A_356 = arith.constant 0 : i32
        %dma_start3A_357 = tpu.memref_slice %arg3[%dma_start3A_355, %dma_start3A_356] : memref<1000000x128xf32, #tpu.memory_space<hbm>> -> memref<1000000x128xf32, #tpu.memory_space<hbm>>
        tpu.enqueue_indirect_dma source(%dma_start3A_357 : memref<1000000x128xf32, #tpu.memory_space<hbm>>) target(%dma_start3A_351 : memref<128x128xf32, #tpu.memory_space<vmem>>) offsets(%dma_start3A_354 : memref<128xi32, #tpu.memory_space<vmem>>) semaphore(%arg7 : memref<!tpu.dma_semaphore, #tpu.memory_space<semaphore_mem>>)
      } else {
      }
      %dma_wait3A_226 = arith.constant 2 : i32
      %dma_wait3A_227 = arith.constant 0 : i32
      %dma_wait3A_228 = arith.constant 0 : i32
      %dma_wait3A_229 = tpu.memref_slice %arg6[%dma_wait3A_226, %dma_wait3A_227, %dma_wait3A_228] : memref<5x128x128xf32, #tpu.memory_space<vmem>> -> memref<1x128x128xf32, #tpu.memory_space<vmem>>
      %dma_wait3A_230 = tpu.memref_squeeze %dma_wait3A_229 : memref<1x128x128xf32, #tpu.memory_space<vmem>> -> memref<128x128xf32, #tpu.memory_space<vmem>>
      %dma_wait3A_231 = arith.constant 0 : i32
      %dma_wait3A_232 = arith.constant 0 : i32
      %dma_wait3A_233 = tpu.memref_slice %arg3[%dma_wait3A_231, %dma_wait3A_232] : memref<1000000x128xf32, #tpu.memory_space<hbm>> -> memref<128x128xf32, #tpu.memory_space<hbm>>
      %dma_wait3A_234 = arith.constant 0 : i32
      %dma_wait3A_235 = arith.constant 0 : i32
      %dma_wait3A_236 = tpu.memref_slice %arg6[%dma_wait3A_226, %dma_wait3A_234, %dma_wait3A_235] : memref<5x128x128xf32, #tpu.memory_space<vmem>> -> memref<1x128x128xf32, #tpu.memory_space<vmem>>
      %dma_wait3A_237 = tpu.memref_squeeze %dma_wait3A_236 : memref<1x128x128xf32, #tpu.memory_space<vmem>> -> memref<128x128xf32, #tpu.memory_space<vmem>>
      %dma_wait3A_238 = arith.constant 0 : i32
      %dma_wait3A_239 = arith.constant 0 : i32
      %dma_wait3A_240 = tpu.memref_slice %arg3[%dma_wait3A_238, %dma_wait3A_239] : memref<1000000x128xf32, #tpu.memory_space<hbm>> -> memref<128x128xf32, #tpu.memory_space<hbm>>
      tpu.wait_dma2 semaphore(%arg9 : memref<!tpu.dma_semaphore, #tpu.memory_space<semaphore_mem>>) src(%dma_wait3A_240 : memref<128x128xf32, #tpu.memory_space<hbm>>) dst(%dma_wait3A_237 : memref<128x128xf32, #tpu.memory_space<vmem>>)
      %mul3A_241 = arith.constant 128 : i32
      %mul3A_242 = arith.muli %add3A_218, %mul3A_241 : i32
      %add3A_243 = arith.addi %mul3A_2, %mul3A_242 : i32
      %dma_start3A_244 = arith.constant 2 : i32
      %dma_start3A_245 = arith.constant 0 : i32
      %dma_start3A_246 = arith.constant 0 : i32
      %dma_start3A_247 = tpu.memref_slice %arg6[%dma_start3A_244, %dma_start3A_245, %dma_start3A_246] : memref<5x128x128xf32, #tpu.memory_space<vmem>> -> memref<1x128x128xf32, #tpu.memory_space<vmem>>
      %dma_start3A_248 = tpu.memref_squeeze %dma_start3A_247 : memref<1x128x128xf32, #tpu.memory_space<vmem>> -> memref<128x128xf32, #tpu.memory_space<vmem>>
      %dma_start3A_249 = arith.constant 0 : i32
      %dma_start3A_250 = tpu.memref_slice %arg4[%add3A_243, %dma_start3A_249] : memref<819200x128xf32, #tpu.memory_space<hbm>> -> memref<128x128xf32, #tpu.memory_space<hbm>>
      %dma_start3A_251 = arith.constant 0 : i32
      %dma_start3A_252 = tpu.memref_slice %arg4[%add3A_243, %dma_start3A_251] : memref<819200x128xf32, #tpu.memory_space<hbm>> -> memref<128x128xf32, #tpu.memory_space<hbm>>
      %dma_start3A_253 = arith.constant 0 : i32
      %dma_start3A_254 = arith.constant 0 : i32
      %dma_start3A_255 = tpu.memref_slice %arg6[%dma_start3A_244, %dma_start3A_253, %dma_start3A_254] : memref<5x128x128xf32, #tpu.memory_space<vmem>> -> memref<1x128x128xf32, #tpu.memory_space<vmem>>
      %dma_start3A_256 = tpu.memref_squeeze %dma_start3A_255 : memref<1x128x128xf32, #tpu.memory_space<vmem>> -> memref<128x128xf32, #tpu.memory_space<vmem>>
      tpu.enqueue_dma source(%dma_start3A_256 : memref<128x128xf32, #tpu.memory_space<vmem>>) target(%dma_start3A_252 : memref<128x128xf32, #tpu.memory_space<hbm>>) target_semaphore(%arg14 : memref<!tpu.dma_semaphore, #tpu.memory_space<semaphore_mem>>)
      %mul3A_257 = arith.constant 5 : i32
      %mul3A_258 = arith.muli %scan3A_133, %mul3A_257 : i32
      %add3A_259 = arith.constant 3 : i32
      %add3A_260 = arith.addi %mul3A_258, %add3A_259 : i32
      %add3A_261 = arith.constant 3 : i32
      %add3A_262 = arith.addi %add3A_260, %add3A_261 : i32
      %lt3A_263 = arith.constant 200 : i32
      %lt3A_264 = arith.cmpi slt, %add3A_262, %lt3A_263 : i32
      %convert_element_type3A_265 = arith.extui %lt3A_264 : i1 to i32
      %cond3A_266 = arith.constant 0 : i32
      %cond3A_267 = arith.cmpi ne, %convert_element_type3A_265, %cond3A_266 : i32
      scf.if %cond3A_267 {
        %ge3A = arith.constant 2 : i32
        %ge3A_341 = arith.cmpi sge, %add3A_260, %ge3A : i32
        %convert_element_type3A_342 = arith.extui %ge3A_341 : i1 to i32
        %cond3A_343 = arith.constant 0 : i32
        %cond3A_344 = arith.cmpi ne, %convert_element_type3A_342, %cond3A_343 : i32
        scf.if %cond3A_344 {
          %dma_wait3A_358 = arith.constant 1 : i32
          %dma_wait3A_359 = arith.constant 0 : i32
          %dma_wait3A_360 = arith.constant 0 : i32
          %dma_wait3A_361 = tpu.memref_slice %arg6[%dma_wait3A_358, %dma_wait3A_359, %dma_wait3A_360] : memref<5x128x128xf32, #tpu.memory_space<vmem>> -> memref<1x128x128xf32, #tpu.memory_space<vmem>>
          %dma_wait3A_362 = tpu.memref_squeeze %dma_wait3A_361 : memref<1x128x128xf32, #tpu.memory_space<vmem>> -> memref<128x128xf32, #tpu.memory_space<vmem>>
          %dma_wait3A_363 = arith.constant 0 : i32
          %dma_wait3A_364 = arith.constant 0 : i32
          %dma_wait3A_365 = tpu.memref_slice %arg4[%dma_wait3A_363, %dma_wait3A_364] : memref<819200x128xf32, #tpu.memory_space<hbm>> -> memref<128x128xf32, #tpu.memory_space<hbm>>
          %dma_wait3A_366 = arith.constant 0 : i32
          %dma_wait3A_367 = arith.constant 0 : i32
          %dma_wait3A_368 = tpu.memref_slice %arg4[%dma_wait3A_366, %dma_wait3A_367] : memref<819200x128xf32, #tpu.memory_space<hbm>> -> memref<128x128xf32, #tpu.memory_space<hbm>>
          %dma_wait3A_369 = arith.constant 0 : i32
          %dma_wait3A_370 = arith.constant 0 : i32
          %dma_wait3A_371 = tpu.memref_slice %arg6[%dma_wait3A_358, %dma_wait3A_369, %dma_wait3A_370] : memref<5x128x128xf32, #tpu.memory_space<vmem>> -> memref<1x128x128xf32, #tpu.memory_space<vmem>>
          %dma_wait3A_372 = tpu.memref_squeeze %dma_wait3A_371 : memref<1x128x128xf32, #tpu.memory_space<vmem>> -> memref<128x128xf32, #tpu.memory_space<vmem>>
          tpu.wait_dma2 semaphore(%arg13 : memref<!tpu.dma_semaphore, #tpu.memory_space<semaphore_mem>>) src(%dma_wait3A_372 : memref<128x128xf32, #tpu.memory_space<vmem>>) dst(%dma_wait3A_368 : memref<128x128xf32, #tpu.memory_space<hbm>>)
        } else {
        }
        %add3A_345 = arith.constant 3 : i32
        %add3A_346 = arith.addi %add3A_260, %add3A_345 : i32
        %dma_start3A_347 = arith.constant 1 : i32
        %dma_start3A_348 = arith.constant 0 : i32
        %dma_start3A_349 = arith.constant 0 : i32
        %dma_start3A_350 = tpu.memref_slice %arg6[%dma_start3A_347, %dma_start3A_348, %dma_start3A_349] : memref<5x128x128xf32, #tpu.memory_space<vmem>> -> memref<1x128x128xf32, #tpu.memory_space<vmem>>
        %dma_start3A_351 = tpu.memref_squeeze %dma_start3A_350 : memref<1x128x128xf32, #tpu.memory_space<vmem>> -> memref<128x128xf32, #tpu.memory_space<vmem>>
        %dma_start3A_352 = arith.constant 0 : i32
        %dma_start3A_353 = tpu.memref_slice %arg5[%add3A_346, %dma_start3A_352] : memref<200x128xi32, #tpu.memory_space<vmem>> -> memref<1x128xi32, #tpu.memory_space<vmem>>
        %dma_start3A_354 = tpu.memref_squeeze %dma_start3A_353 : memref<1x128xi32, #tpu.memory_space<vmem>> -> memref<128xi32, #tpu.memory_space<vmem>>
        %dma_start3A_355 = arith.constant 0 : i32
        %dma_start3A_356 = arith.constant 0 : i32
        %dma_start3A_357 = tpu.memref_slice %arg3[%dma_start3A_355, %dma_start3A_356] : memref<1000000x128xf32, #tpu.memory_space<hbm>> -> memref<1000000x128xf32, #tpu.memory_space<hbm>>
        tpu.enqueue_indirect_dma source(%dma_start3A_357 : memref<1000000x128xf32, #tpu.memory_space<hbm>>) target(%dma_start3A_351 : memref<128x128xf32, #tpu.memory_space<vmem>>) offsets(%dma_start3A_354 : memref<128xi32, #tpu.memory_space<vmem>>) semaphore(%arg8 : memref<!tpu.dma_semaphore, #tpu.memory_space<semaphore_mem>>)
      } else {
      }
      %dma_wait3A_268 = arith.constant 3 : i32
      %dma_wait3A_269 = arith.constant 0 : i32
      %dma_wait3A_270 = arith.constant 0 : i32
      %dma_wait3A_271 = tpu.memref_slice %arg6[%dma_wait3A_268, %dma_wait3A_269, %dma_wait3A_270] : memref<5x128x128xf32, #tpu.memory_space<vmem>> -> memref<1x128x128xf32, #tpu.memory_space<vmem>>
      %dma_wait3A_272 = tpu.memref_squeeze %dma_wait3A_271 : memref<1x128x128xf32, #tpu.memory_space<vmem>> -> memref<128x128xf32, #tpu.memory_space<vmem>>
      %dma_wait3A_273 = arith.constant 0 : i32
      %dma_wait3A_274 = arith.constant 0 : i32
      %dma_wait3A_275 = tpu.memref_slice %arg3[%dma_wait3A_273, %dma_wait3A_274] : memref<1000000x128xf32, #tpu.memory_space<hbm>> -> memref<128x128xf32, #tpu.memory_space<hbm>>
      %dma_wait3A_276 = arith.constant 0 : i32
      %dma_wait3A_277 = arith.constant 0 : i32
      %dma_wait3A_278 = tpu.memref_slice %arg6[%dma_wait3A_268, %dma_wait3A_276, %dma_wait3A_277] : memref<5x128x128xf32, #tpu.memory_space<vmem>> -> memref<1x128x128xf32, #tpu.memory_space<vmem>>
      %dma_wait3A_279 = tpu.memref_squeeze %dma_wait3A_278 : memref<1x128x128xf32, #tpu.memory_space<vmem>> -> memref<128x128xf32, #tpu.memory_space<vmem>>
      %dma_wait3A_280 = arith.constant 0 : i32
      %dma_wait3A_281 = arith.constant 0 : i32
      %dma_wait3A_282 = tpu.memref_slice %arg3[%dma_wait3A_280, %dma_wait3A_281] : memref<1000000x128xf32, #tpu.memory_space<hbm>> -> memref<128x128xf32, #tpu.memory_space<hbm>>
      tpu.wait_dma2 semaphore(%arg10 : memref<!tpu.dma_semaphore, #tpu.memory_space<semaphore_mem>>) src(%dma_wait3A_282 : memref<128x128xf32, #tpu.memory_space<hbm>>) dst(%dma_wait3A_279 : memref<128x128xf32, #tpu.memory_space<vmem>>)
      %mul3A_283 = arith.constant 128 : i32
      %mul3A_284 = arith.muli %add3A_260, %mul3A_283 : i32
      %add3A_285 = arith.addi %mul3A_2, %mul3A_284 : i32
      %dma_start3A_286 = arith.constant 3 : i32
      %dma_start3A_287 = arith.constant 0 : i32
      %dma_start3A_288 = arith.constant 0 : i32
      %dma_start3A_289 = tpu.memref_slice %arg6[%dma_start3A_286, %dma_start3A_287, %dma_start3A_288] : memref<5x128x128xf32, #tpu.memory_space<vmem>> -> memref<1x128x128xf32, #tpu.memory_space<vmem>>
      %dma_start3A_290 = tpu.memref_squeeze %dma_start3A_289 : memref<1x128x128xf32, #tpu.memory_space<vmem>> -> memref<128x128xf32, #tpu.memory_space<vmem>>
      %dma_start3A_291 = arith.constant 0 : i32
      %dma_start3A_292 = tpu.memref_slice %arg4[%add3A_285, %dma_start3A_291] : memref<819200x128xf32, #tpu.memory_space<hbm>> -> memref<128x128xf32, #tpu.memory_space<hbm>>
      %dma_start3A_293 = arith.constant 0 : i32
      %dma_start3A_294 = tpu.memref_slice %arg4[%add3A_285, %dma_start3A_293] : memref<819200x128xf32, #tpu.memory_space<hbm>> -> memref<128x128xf32, #tpu.memory_space<hbm>>
      %dma_start3A_295 = arith.constant 0 : i32
      %dma_start3A_296 = arith.constant 0 : i32
      %dma_start3A_297 = tpu.memref_slice %arg6[%dma_start3A_286, %dma_start3A_295, %dma_start3A_296] : memref<5x128x128xf32, #tpu.memory_space<vmem>> -> memref<1x128x128xf32, #tpu.memory_space<vmem>>
      %dma_start3A_298 = tpu.memref_squeeze %dma_start3A_297 : memref<1x128x128xf32, #tpu.memory_space<vmem>> -> memref<128x128xf32, #tpu.memory_space<vmem>>
      tpu.enqueue_dma source(%dma_start3A_298 : memref<128x128xf32, #tpu.memory_space<vmem>>) target(%dma_start3A_294 : memref<128x128xf32, #tpu.memory_space<hbm>>) target_semaphore(%arg15 : memref<!tpu.dma_semaphore, #tpu.memory_space<semaphore_mem>>)
      %mul3A_299 = arith.constant 5 : i32
      %mul3A_300 = arith.muli %scan3A_133, %mul3A_299 : i32
      %add3A_301 = arith.constant 4 : i32
      %add3A_302 = arith.addi %mul3A_300, %add3A_301 : i32
      %add3A_303 = arith.constant 3 : i32
      %add3A_304 = arith.addi %add3A_302, %add3A_303 : i32
      %lt3A_305 = arith.constant 200 : i32
      %lt3A_306 = arith.cmpi slt, %add3A_304, %lt3A_305 : i32
      %convert_element_type3A_307 = arith.extui %lt3A_306 : i1 to i32
      %cond3A_308 = arith.constant 0 : i32
      %cond3A_309 = arith.cmpi ne, %convert_element_type3A_307, %cond3A_308 : i32
      scf.if %cond3A_309 {
        %ge3A = arith.constant 2 : i32
        %ge3A_341 = arith.cmpi sge, %add3A_302, %ge3A : i32
        %convert_element_type3A_342 = arith.extui %ge3A_341 : i1 to i32
        %cond3A_343 = arith.constant 0 : i32
        %cond3A_344 = arith.cmpi ne, %convert_element_type3A_342, %cond3A_343 : i32
        scf.if %cond3A_344 {
          %dma_wait3A_358 = arith.constant 2 : i32
          %dma_wait3A_359 = arith.constant 0 : i32
          %dma_wait3A_360 = arith.constant 0 : i32
          %dma_wait3A_361 = tpu.memref_slice %arg6[%dma_wait3A_358, %dma_wait3A_359, %dma_wait3A_360] : memref<5x128x128xf32, #tpu.memory_space<vmem>> -> memref<1x128x128xf32, #tpu.memory_space<vmem>>
          %dma_wait3A_362 = tpu.memref_squeeze %dma_wait3A_361 : memref<1x128x128xf32, #tpu.memory_space<vmem>> -> memref<128x128xf32, #tpu.memory_space<vmem>>
          %dma_wait3A_363 = arith.constant 0 : i32
          %dma_wait3A_364 = arith.constant 0 : i32
          %dma_wait3A_365 = tpu.memref_slice %arg4[%dma_wait3A_363, %dma_wait3A_364] : memref<819200x128xf32, #tpu.memory_space<hbm>> -> memref<128x128xf32, #tpu.memory_space<hbm>>
          %dma_wait3A_366 = arith.constant 0 : i32
          %dma_wait3A_367 = arith.constant 0 : i32
          %dma_wait3A_368 = tpu.memref_slice %arg4[%dma_wait3A_366, %dma_wait3A_367] : memref<819200x128xf32, #tpu.memory_space<hbm>> -> memref<128x128xf32, #tpu.memory_space<hbm>>
          %dma_wait3A_369 = arith.constant 0 : i32
          %dma_wait3A_370 = arith.constant 0 : i32
          %dma_wait3A_371 = tpu.memref_slice %arg6[%dma_wait3A_358, %dma_wait3A_369, %dma_wait3A_370] : memref<5x128x128xf32, #tpu.memory_space<vmem>> -> memref<1x128x128xf32, #tpu.memory_space<vmem>>
          %dma_wait3A_372 = tpu.memref_squeeze %dma_wait3A_371 : memref<1x128x128xf32, #tpu.memory_space<vmem>> -> memref<128x128xf32, #tpu.memory_space<vmem>>
          tpu.wait_dma2 semaphore(%arg14 : memref<!tpu.dma_semaphore, #tpu.memory_space<semaphore_mem>>) src(%dma_wait3A_372 : memref<128x128xf32, #tpu.memory_space<vmem>>) dst(%dma_wait3A_368 : memref<128x128xf32, #tpu.memory_space<hbm>>)
        } else {
        }
        %add3A_345 = arith.constant 3 : i32
        %add3A_346 = arith.addi %add3A_302, %add3A_345 : i32
        %dma_start3A_347 = arith.constant 2 : i32
        %dma_start3A_348 = arith.constant 0 : i32
        %dma_start3A_349 = arith.constant 0 : i32
        %dma_start3A_350 = tpu.memref_slice %arg6[%dma_start3A_347, %dma_start3A_348, %dma_start3A_349] : memref<5x128x128xf32, #tpu.memory_space<vmem>> -> memref<1x128x128xf32, #tpu.memory_space<vmem>>
        %dma_start3A_351 = tpu.memref_squeeze %dma_start3A_350 : memref<1x128x128xf32, #tpu.memory_space<vmem>> -> memref<128x128xf32, #tpu.memory_space<vmem>>
        %dma_start3A_352 = arith.constant 0 : i32
        %dma_start3A_353 = tpu.memref_slice %arg5[%add3A_346, %dma_start3A_352] : memref<200x128xi32, #tpu.memory_space<vmem>> -> memref<1x128xi32, #tpu.memory_space<vmem>>
        %dma_start3A_354 = tpu.memref_squeeze %dma_start3A_353 : memref<1x128xi32, #tpu.memory_space<vmem>> -> memref<128xi32, #tpu.memory_space<vmem>>
        %dma_start3A_355 = arith.constant 0 : i32
        %dma_start3A_356 = arith.constant 0 : i32
        %dma_start3A_357 = tpu.memref_slice %arg3[%dma_start3A_355, %dma_start3A_356] : memref<1000000x128xf32, #tpu.memory_space<hbm>> -> memref<1000000x128xf32, #tpu.memory_space<hbm>>
        tpu.enqueue_indirect_dma source(%dma_start3A_357 : memref<1000000x128xf32, #tpu.memory_space<hbm>>) target(%dma_start3A_351 : memref<128x128xf32, #tpu.memory_space<vmem>>) offsets(%dma_start3A_354 : memref<128xi32, #tpu.memory_space<vmem>>) semaphore(%arg9 : memref<!tpu.dma_semaphore, #tpu.memory_space<semaphore_mem>>)
      } else {
      }
      %dma_wait3A_310 = arith.constant 4 : i32
      %dma_wait3A_311 = arith.constant 0 : i32
      %dma_wait3A_312 = arith.constant 0 : i32
      %dma_wait3A_313 = tpu.memref_slice %arg6[%dma_wait3A_310, %dma_wait3A_311, %dma_wait3A_312] : memref<5x128x128xf32, #tpu.memory_space<vmem>> -> memref<1x128x128xf32, #tpu.memory_space<vmem>>
      %dma_wait3A_314 = tpu.memref_squeeze %dma_wait3A_313 : memref<1x128x128xf32, #tpu.memory_space<vmem>> -> memref<128x128xf32, #tpu.memory_space<vmem>>
      %dma_wait3A_315 = arith.constant 0 : i32
      %dma_wait3A_316 = arith.constant 0 : i32
      %dma_wait3A_317 = tpu.memref_slice %arg3[%dma_wait3A_315, %dma_wait3A_316] : memref<1000000x128xf32, #tpu.memory_space<hbm>> -> memref<128x128xf32, #tpu.memory_space<hbm>>
      %dma_wait3A_318 = arith.constant 0 : i32
      %dma_wait3A_319 = arith.constant 0 : i32
      %dma_wait3A_320 = tpu.memref_slice %arg6[%dma_wait3A_310, %dma_wait3A_318, %dma_wait3A_319] : memref<5x128x128xf32, #tpu.memory_space<vmem>> -> memref<1x128x128xf32, #tpu.memory_space<vmem>>
      %dma_wait3A_321 = tpu.memref_squeeze %dma_wait3A_320 : memref<1x128x128xf32, #tpu.memory_space<vmem>> -> memref<128x128xf32, #tpu.memory_space<vmem>>
      %dma_wait3A_322 = arith.constant 0 : i32
      %dma_wait3A_323 = arith.constant 0 : i32
      %dma_wait3A_324 = tpu.memref_slice %arg3[%dma_wait3A_322, %dma_wait3A_323] : memref<1000000x128xf32, #tpu.memory_space<hbm>> -> memref<128x128xf32, #tpu.memory_space<hbm>>
      tpu.wait_dma2 semaphore(%arg11 : memref<!tpu.dma_semaphore, #tpu.memory_space<semaphore_mem>>) src(%dma_wait3A_324 : memref<128x128xf32, #tpu.memory_space<hbm>>) dst(%dma_wait3A_321 : memref<128x128xf32, #tpu.memory_space<vmem>>)
      %mul3A_325 = arith.constant 128 : i32
      %mul3A_326 = arith.muli %add3A_302, %mul3A_325 : i32
      %add3A_327 = arith.addi %mul3A_2, %mul3A_326 : i32
      %dma_start3A_328 = arith.constant 4 : i32
      %dma_start3A_329 = arith.constant 0 : i32
      %dma_start3A_330 = arith.constant 0 : i32
      %dma_start3A_331 = tpu.memref_slice %arg6[%dma_start3A_328, %dma_start3A_329, %dma_start3A_330] : memref<5x128x128xf32, #tpu.memory_space<vmem>> -> memref<1x128x128xf32, #tpu.memory_space<vmem>>
      %dma_start3A_332 = tpu.memref_squeeze %dma_start3A_331 : memref<1x128x128xf32, #tpu.memory_space<vmem>> -> memref<128x128xf32, #tpu.memory_space<vmem>>
      %dma_start3A_333 = arith.constant 0 : i32
      %dma_start3A_334 = tpu.memref_slice %arg4[%add3A_327, %dma_start3A_333] : memref<819200x128xf32, #tpu.memory_space<hbm>> -> memref<128x128xf32, #tpu.memory_space<hbm>>
      %dma_start3A_335 = arith.constant 0 : i32
      %dma_start3A_336 = tpu.memref_slice %arg4[%add3A_327, %dma_start3A_335] : memref<819200x128xf32, #tpu.memory_space<hbm>> -> memref<128x128xf32, #tpu.memory_space<hbm>>
      %dma_start3A_337 = arith.constant 0 : i32
      %dma_start3A_338 = arith.constant 0 : i32
      %dma_start3A_339 = tpu.memref_slice %arg6[%dma_start3A_328, %dma_start3A_337, %dma_start3A_338] : memref<5x128x128xf32, #tpu.memory_space<vmem>> -> memref<1x128x128xf32, #tpu.memory_space<vmem>>
      %dma_start3A_340 = tpu.memref_squeeze %dma_start3A_339 : memref<1x128x128xf32, #tpu.memory_space<vmem>> -> memref<128x128xf32, #tpu.memory_space<vmem>>
      tpu.enqueue_dma source(%dma_start3A_340 : memref<128x128xf32, #tpu.memory_space<vmem>>) target(%dma_start3A_336 : memref<128x128xf32, #tpu.memory_space<hbm>>) target_semaphore(%arg16 : memref<!tpu.dma_semaphore, #tpu.memory_space<semaphore_mem>>)
    }
    %scan3A_57 = arith.constant 40 : i32
    %dma_wait3A_58 = arith.constant 0 : i32
    %dma_wait3A_59 = arith.constant 0 : i32
    %dma_wait3A_60 = arith.constant 0 : i32
    %dma_wait3A_61 = tpu.memref_slice %arg6[%dma_wait3A_58, %dma_wait3A_59, %dma_wait3A_60] : memref<5x128x128xf32, #tpu.memory_space<vmem>> -> memref<1x128x128xf32, #tpu.memory_space<vmem>>
    %dma_wait3A_62 = tpu.memref_squeeze %dma_wait3A_61 : memref<1x128x128xf32, #tpu.memory_space<vmem>> -> memref<128x128xf32, #tpu.memory_space<vmem>>
    %dma_wait3A_63 = arith.constant 0 : i32
    %dma_wait3A_64 = arith.constant 0 : i32
    %dma_wait3A_65 = tpu.memref_slice %arg4[%dma_wait3A_63, %dma_wait3A_64] : memref<819200x128xf32, #tpu.memory_space<hbm>> -> memref<128x128xf32, #tpu.memory_space<hbm>>
    %dma_wait3A_66 = arith.constant 0 : i32
    %dma_wait3A_67 = arith.constant 0 : i32
    %dma_wait3A_68 = tpu.memref_slice %arg4[%dma_wait3A_66, %dma_wait3A_67] : memref<819200x128xf32, #tpu.memory_space<hbm>> -> memref<128x128xf32, #tpu.memory_space<hbm>>
    %dma_wait3A_69 = arith.constant 0 : i32
    %dma_wait3A_70 = arith.constant 0 : i32
    %dma_wait3A_71 = tpu.memref_slice %arg6[%dma_wait3A_58, %dma_wait3A_69, %dma_wait3A_70] : memref<5x128x128xf32, #tpu.memory_space<vmem>> -> memref<1x128x128xf32, #tpu.memory_space<vmem>>
    %dma_wait3A_72 = tpu.memref_squeeze %dma_wait3A_71 : memref<1x128x128xf32, #tpu.memory_space<vmem>> -> memref<128x128xf32, #tpu.memory_space<vmem>>
    tpu.wait_dma2 semaphore(%arg12 : memref<!tpu.dma_semaphore, #tpu.memory_space<semaphore_mem>>) src(%dma_wait3A_72 : memref<128x128xf32, #tpu.memory_space<vmem>>) dst(%dma_wait3A_68 : memref<128x128xf32, #tpu.memory_space<hbm>>)
    %dma_wait3A_73 = arith.constant 1 : i32
    %dma_wait3A_74 = arith.constant 0 : i32
    %dma_wait3A_75 = arith.constant 0 : i32
    %dma_wait3A_76 = tpu.memref_slice %arg6[%dma_wait3A_73, %dma_wait3A_74, %dma_wait3A_75] : memref<5x128x128xf32, #tpu.memory_space<vmem>> -> memref<1x128x128xf32, #tpu.memory_space<vmem>>
    %dma_wait3A_77 = tpu.memref_squeeze %dma_wait3A_76 : memref<1x128x128xf32, #tpu.memory_space<vmem>> -> memref<128x128xf32, #tpu.memory_space<vmem>>
    %dma_wait3A_78 = arith.constant 0 : i32
    %dma_wait3A_79 = arith.constant 0 : i32
    %dma_wait3A_80 = tpu.memref_slice %arg4[%dma_wait3A_78, %dma_wait3A_79] : memref<819200x128xf32, #tpu.memory_space<hbm>> -> memref<128x128xf32, #tpu.memory_space<hbm>>
    %dma_wait3A_81 = arith.constant 0 : i32
    %dma_wait3A_82 = arith.constant 0 : i32
    %dma_wait3A_83 = tpu.memref_slice %arg4[%dma_wait3A_81, %dma_wait3A_82] : memref<819200x128xf32, #tpu.memory_space<hbm>> -> memref<128x128xf32, #tpu.memory_space<hbm>>
    %dma_wait3A_84 = arith.constant 0 : i32
    %dma_wait3A_85 = arith.constant 0 : i32
    %dma_wait3A_86 = tpu.memref_slice %arg6[%dma_wait3A_73, %dma_wait3A_84, %dma_wait3A_85] : memref<5x128x128xf32, #tpu.memory_space<vmem>> -> memref<1x128x128xf32, #tpu.memory_space<vmem>>
    %dma_wait3A_87 = tpu.memref_squeeze %dma_wait3A_86 : memref<1x128x128xf32, #tpu.memory_space<vmem>> -> memref<128x128xf32, #tpu.memory_space<vmem>>
    tpu.wait_dma2 semaphore(%arg13 : memref<!tpu.dma_semaphore, #tpu.memory_space<semaphore_mem>>) src(%dma_wait3A_87 : memref<128x128xf32, #tpu.memory_space<vmem>>) dst(%dma_wait3A_83 : memref<128x128xf32, #tpu.memory_space<hbm>>)
    %dma_wait3A_88 = arith.constant 2 : i32
    %dma_wait3A_89 = arith.constant 0 : i32
    %dma_wait3A_90 = arith.constant 0 : i32
    %dma_wait3A_91 = tpu.memref_slice %arg6[%dma_wait3A_88, %dma_wait3A_89, %dma_wait3A_90] : memref<5x128x128xf32, #tpu.memory_space<vmem>> -> memref<1x128x128xf32, #tpu.memory_space<vmem>>
    %dma_wait3A_92 = tpu.memref_squeeze %dma_wait3A_91 : memref<1x128x128xf32, #tpu.memory_space<vmem>> -> memref<128x128xf32, #tpu.memory_space<vmem>>
    %dma_wait3A_93 = arith.constant 0 : i32
    %dma_wait3A_94 = arith.constant 0 : i32
    %dma_wait3A_95 = tpu.memref_slice %arg4[%dma_wait3A_93, %dma_wait3A_94] : memref<819200x128xf32, #tpu.memory_space<hbm>> -> memref<128x128xf32, #tpu.memory_space<hbm>>
    %dma_wait3A_96 = arith.constant 0 : i32
    %dma_wait3A_97 = arith.constant 0 : i32
    %dma_wait3A_98 = tpu.memref_slice %arg4[%dma_wait3A_96, %dma_wait3A_97] : memref<819200x128xf32, #tpu.memory_space<hbm>> -> memref<128x128xf32, #tpu.memory_space<hbm>>
    %dma_wait3A_99 = arith.constant 0 : i32
    %dma_wait3A_100 = arith.constant 0 : i32
    %dma_wait3A_101 = tpu.memref_slice %arg6[%dma_wait3A_88, %dma_wait3A_99, %dma_wait3A_100] : memref<5x128x128xf32, #tpu.memory_space<vmem>> -> memref<1x128x128xf32, #tpu.memory_space<vmem>>
    %dma_wait3A_102 = tpu.memref_squeeze %dma_wait3A_101 : memref<1x128x128xf32, #tpu.memory_space<vmem>> -> memref<128x128xf32, #tpu.memory_space<vmem>>
    tpu.wait_dma2 semaphore(%arg14 : memref<!tpu.dma_semaphore, #tpu.memory_space<semaphore_mem>>) src(%dma_wait3A_102 : memref<128x128xf32, #tpu.memory_space<vmem>>) dst(%dma_wait3A_98 : memref<128x128xf32, #tpu.memory_space<hbm>>)
    %dma_wait3A_103 = arith.constant 3 : i32
    %dma_wait3A_104 = arith.constant 0 : i32
    %dma_wait3A_105 = arith.constant 0 : i32
    %dma_wait3A_106 = tpu.memref_slice %arg6[%dma_wait3A_103, %dma_wait3A_104, %dma_wait3A_105] : memref<5x128x128xf32, #tpu.memory_space<vmem>> -> memref<1x128x128xf32, #tpu.memory_space<vmem>>
    %dma_wait3A_107 = tpu.memref_squeeze %dma_wait3A_106 : memref<1x128x128xf32, #tpu.memory_space<vmem>> -> memref<128x128xf32, #tpu.memory_space<vmem>>
    %dma_wait3A_108 = arith.constant 0 : i32
    %dma_wait3A_109 = arith.constant 0 : i32
    %dma_wait3A_110 = tpu.memref_slice %arg4[%dma_wait3A_108, %dma_wait3A_109] : memref<819200x128xf32, #tpu.memory_space<hbm>> -> memref<128x128xf32, #tpu.memory_space<hbm>>
    %dma_wait3A_111 = arith.constant 0 : i32
    %dma_wait3A_112 = arith.constant 0 : i32
    %dma_wait3A_113 = tpu.memref_slice %arg4[%dma_wait3A_111, %dma_wait3A_112] : memref<819200x128xf32, #tpu.memory_space<hbm>> -> memref<128x128xf32, #tpu.memory_space<hbm>>
    %dma_wait3A_114 = arith.constant 0 : i32
    %dma_wait3A_115 = arith.constant 0 : i32
    %dma_wait3A_116 = tpu.memref_slice %arg6[%dma_wait3A_103, %dma_wait3A_114, %dma_wait3A_115] : memref<5x128x128xf32, #tpu.memory_space<vmem>> -> memref<1x128x128xf32, #tpu.memory_space<vmem>>
    %dma_wait3A_117 = tpu.memref_squeeze %dma_wait3A_116 : memref<1x128x128xf32, #tpu.memory_space<vmem>> -> memref<128x128xf32, #tpu.memory_space<vmem>>
    tpu.wait_dma2 semaphore(%arg15 : memref<!tpu.dma_semaphore, #tpu.memory_space<semaphore_mem>>) src(%dma_wait3A_117 : memref<128x128xf32, #tpu.memory_space<vmem>>) dst(%dma_wait3A_113 : memref<128x128xf32, #tpu.memory_space<hbm>>)
    %dma_wait3A_118 = arith.constant 4 : i32
    %dma_wait3A_119 = arith.constant 0 : i32
    %dma_wait3A_120 = arith.constant 0 : i32
    %dma_wait3A_121 = tpu.memref_slice %arg6[%dma_wait3A_118, %dma_wait3A_119, %dma_wait3A_120] : memref<5x128x128xf32, #tpu.memory_space<vmem>> -> memref<1x128x128xf32, #tpu.memory_space<vmem>>
    %dma_wait3A_122 = tpu.memref_squeeze %dma_wait3A_121 : memref<1x128x128xf32, #tpu.memory_space<vmem>> -> memref<128x128xf32, #tpu.memory_space<vmem>>
    %dma_wait3A_123 = arith.constant 0 : i32
    %dma_wait3A_124 = arith.constant 0 : i32
    %dma_wait3A_125 = tpu.memref_slice %arg4[%dma_wait3A_123, %dma_wait3A_124] : memref<819200x128xf32, #tpu.memory_space<hbm>> -> memref<128x128xf32, #tpu.memory_space<hbm>>
    %dma_wait3A_126 = arith.constant 0 : i32
    %dma_wait3A_127 = arith.constant 0 : i32
    %dma_wait3A_128 = tpu.memref_slice %arg4[%dma_wait3A_126, %dma_wait3A_127] : memref<819200x128xf32, #tpu.memory_space<hbm>> -> memref<128x128xf32, #tpu.memory_space<hbm>>
    %dma_wait3A_129 = arith.constant 0 : i32
    %dma_wait3A_130 = arith.constant 0 : i32
    %dma_wait3A_131 = tpu.memref_slice %arg6[%dma_wait3A_118, %dma_wait3A_129, %dma_wait3A_130] : memref<5x128x128xf32, #tpu.memory_space<vmem>> -> memref<1x128x128xf32, #tpu.memory_space<vmem>>
    %dma_wait3A_132 = tpu.memref_squeeze %dma_wait3A_131 : memref<1x128x128xf32, #tpu.memory_space<vmem>> -> memref<128x128xf32, #tpu.memory_space<vmem>>
    tpu.wait_dma2 semaphore(%arg16 : memref<!tpu.dma_semaphore, #tpu.memory_space<semaphore_mem>>) src(%dma_wait3A_132 : memref<128x128xf32, #tpu.memory_space<vmem>>) dst(%dma_wait3A_128 : memref<128x128xf32, #tpu.memory_space<hbm>>)
    return
  }
}

module attributes {stable_mosaic.version = 14 : i64} {
  func.func @_epilogue_body(%arg0: i32, %arg1: memref<4096x128xf32, #tpu.memory_space<vmem>>, %arg2: memref<1x1x4096xi32, #tpu.memory_space<vmem>>, %arg3: memref<1x1x4096xi32, #tpu.memory_space<vmem>>, %arg4: memref<64x128xf32, #tpu.memory_space<vmem>>, %arg5: memref<1x64x4096xf32, #tpu.memory_space<vmem>>, %arg6: memref<1x64x4096xf32, #tpu.memory_space<vmem>>, %arg7: memref<1x1x4096xi32, #tpu.memory_space<vmem>>) attributes {dimension_semantics = [#tpu.dimension_semantics<arbitrary>], iteration_bounds = array<i64: 200>, scalar_prefetch = 0 : i64, scratch_operands = 0 : i64, tpu.core_type = #tpu.core_type<tc>, window_params = [{transform_indices = @transform_0, window_bounds = array<i64: 4096, 128>}, {transform_indices = @transform_1, window_bounds = array<i64: 1, 1, 4096>}, {transform_indices = @transform_2, window_bounds = array<i64: 1, 1, 4096>}, {pipeline_mode = #tpu.pipeline_mode<synchronous>, transform_indices = @transform_3, window_bounds = array<i64: 64, 128>}, {transform_indices = @transform_4, window_bounds = array<i64: 1, 64, 4096>}, {transform_indices = @transform_5, window_bounds = array<i64: 1, 64, 4096>}, {transform_indices = @transform_6, window_bounds = array<i64: 1, 1, 4096>}]} {
    %get3A = arith.constant 0 : index
    %get3A_0 = arith.constant 0 : index
    %get3A_1 = vector.load %arg1[%get3A, %get3A_0] : memref<4096x128xf32, #tpu.memory_space<vmem>>, vector<4096x128xf32>
    %transpose3A = tpu.transpose %get3A_1, [1, 0] : vector<4096x128xf32> -> vector<128x4096xf32>
    %slice3A = vector.extract_strided_slice %transpose3A {offsets = [0, 0], sizes = [64, 4096], strides = [1, 1]} : vector<128x4096xf32> to vector<64x4096xf32>
    %get3A_2 = arith.constant 0 : index
    %get3A_3 = arith.constant 0 : index
    %get3A_4 = arith.constant 0 : index
    %get3A_5 = vector.load %arg3[%get3A_2, %get3A_3, %get3A_4] : memref<1x1x4096xi32, #tpu.memory_space<vmem>>, vector<1x1x4096xi32>
    %get3A_6 = vector.shape_cast %get3A_5 : vector<1x1x4096xi32> to vector<1x4096xi32>
    %iota3A = tpu.iota {dimensions = array<i32: 0>} : vector<128x4096xi32>
    %eq3A = vector.broadcast %get3A_6 : vector<1x4096xi32> to vector<128x4096xi32>
    %eq3A_7 = arith.cmpi eq, %iota3A, %eq3A : vector<128x4096xi32>
    %convert_element_type3A = arith.extui %eq3A_7 : vector<128x4096xi1> to vector<128x4096xi32>
    %convert_element_type3A_8 = arith.sitofp %convert_element_type3A : vector<128x4096xi32> to vector<128x4096xf32>
    %get3A_9 = arith.constant 0 : index
    %get3A_10 = arith.constant 0 : index
    %get3A_11 = vector.load %arg4[%get3A_9, %get3A_10] : memref<64x128xf32, #tpu.memory_space<vmem>>, vector<64x128xf32>
    %dot_general3A = arith.constant dense<0.000000e+00> : vector<64x4096xf32>
    %dot_general3A_12 = tpu.matmul %get3A_11, %convert_element_type3A_8, %dot_general3A {dimension_numbers = #tpu.dot_dimension_numbers<[1], [0], [0], [1], [0, 0, 1, 1], [], []>, transpose_lhs_hint = false} : vector<64x128xf32>, vector<128x4096xf32>, vector<64x4096xf32> -> vector<64x4096xf32>
    %add3A = arith.addf %slice3A, %dot_general3A_12 : vector<64x4096xf32>
    %broadcast_in_dim3A = vector.shape_cast %add3A : vector<64x4096xf32> to vector<1x64x4096xf32>
    %swap3A = arith.constant 0 : index
    %swap3A_13 = arith.constant 0 : index
    %swap3A_14 = arith.constant 0 : index
    %swap3A_15 = vector.load %arg5[%swap3A, %swap3A_13, %swap3A_14] : memref<1x64x4096xf32, #tpu.memory_space<vmem>>, vector<1x64x4096xf32>
    tpu.vector_store %arg5[%swap3A, %swap3A_13, %swap3A_14], %broadcast_in_dim3A {strides = array<i32>} : memref<1x64x4096xf32, #tpu.memory_space<vmem>>, vector<1x64x4096xf32>,
    %broadcast_in_dim3A_16 = vector.shape_cast %dot_general3A_12 : vector<64x4096xf32> to vector<1x64x4096xf32>
    %swap3A_17 = arith.constant 0 : index
    %swap3A_18 = arith.constant 0 : index
    %swap3A_19 = arith.constant 0 : index
    %swap3A_20 = vector.load %arg6[%swap3A_17, %swap3A_18, %swap3A_19] : memref<1x64x4096xf32, #tpu.memory_space<vmem>>, vector<1x64x4096xf32>
    tpu.vector_store %arg6[%swap3A_17, %swap3A_18, %swap3A_19], %broadcast_in_dim3A_16 {strides = array<i32>} : memref<1x64x4096xf32, #tpu.memory_space<vmem>>, vector<1x64x4096xf32>,
    %get3A_21 = arith.constant 0 : index
    %get3A_22 = arith.constant 0 : index
    %get3A_23 = arith.constant 0 : index
    %get3A_24 = vector.load %arg2[%get3A_21, %get3A_22, %get3A_23] : memref<1x1x4096xi32, #tpu.memory_space<vmem>>, vector<1x1x4096xi32>
    %ne3A = arith.constant 0 : i32
    %ne3A_25 = vector.broadcast %ne3A : i32 to vector<1x1x4096xi32>
    %ne3A_26 = arith.cmpi ne, %get3A_24, %ne3A_25 : vector<1x1x4096xi32>
    %swap3A_27 = arith.constant 0 : index
    %swap3A_28 = arith.constant 0 : index
    %swap3A_29 = arith.constant 0 : index
    %swap3A_30 = vector.load %arg7[%swap3A_27, %swap3A_28, %swap3A_29] : memref<1x1x4096xi32, #tpu.memory_space<vmem>>, vector<1x1x4096xi32>
    %swap3A_31 = arith.extui %ne3A_26 : vector<1x1x4096xi1> to vector<1x1x4096xi32>
    %swap3A_32 = arith.constant dense<0> : vector<1x1x4096xi32>
    %swap3A_33 = arith.cmpi ne, %swap3A_30, %swap3A_32 : vector<1x1x4096xi32>
    tpu.vector_store %arg7[%swap3A_27, %swap3A_28, %swap3A_29], %swap3A_31 {strides = array<i32>} : memref<1x1x4096xi32, #tpu.memory_space<vmem>>, vector<1x1x4096xi32>,
    return
  }
  func.func @transform_0(%arg0: i32) -> (i32, i32) {
    %c0_i32 = arith.constant 0 : i32
    %c0_i32_0 = arith.constant 0 : i32
    return %arg0, %c0_i32 : i32, i32
  }
  func.func @transform_1(%arg0: i32) -> (i32, i32, i32) {
    %c0_i32 = arith.constant 0 : i32
    %c0_i32_0 = arith.constant 0 : i32
    %c0_i32_1 = arith.constant 0 : i32
    return %arg0, %c0_i32, %c0_i32_0 : i32, i32, i32
  }
  func.func @transform_2(%arg0: i32) -> (i32, i32, i32) {
    %c0_i32 = arith.constant 0 : i32
    %c0_i32_0 = arith.constant 0 : i32
    %c0_i32_1 = arith.constant 0 : i32
    return %arg0, %c0_i32, %c0_i32_0 : i32, i32, i32
  }
  func.func @transform_3(%arg0: i32) -> (i32, i32) {
    %c0_i32 = arith.constant 0 : i32
    %c0_i32_0 = arith.constant 0 : i32
    %c0_i32_1 = arith.constant 0 : i32
    return %c0_i32, %c0_i32_0 : i32, i32
  }
  func.func @transform_4(%arg0: i32) -> (i32, i32, i32) {
    %c0_i32 = arith.constant 0 : i32
    %c0_i32_0 = arith.constant 0 : i32
    %c0_i32_1 = arith.constant 0 : i32
    return %arg0, %c0_i32, %c0_i32_0 : i32, i32, i32
  }
  func.func @transform_5(%arg0: i32) -> (i32, i32, i32) {
    %c0_i32 = arith.constant 0 : i32
    %c0_i32_0 = arith.constant 0 : i32
    %c0_i32_1 = arith.constant 0 : i32
    return %arg0, %c0_i32, %c0_i32_0 : i32, i32, i32
  }
  func.func @transform_6(%arg0: i32) -> (i32, i32, i32) {
    %c0_i32 = arith.constant 0 : i32
    %c0_i32_0 = arith.constant 0 : i32
    %c0_i32_1 = arith.constant 0 : i32
    return %arg0, %c0_i32, %c0_i32_0 : i32, i32, i32
  }
}

</mosaic_0001>

<sc_bundles>
// kernel: kernel.4.cloned.1.call-start
scs
__scs_entry_jumppad:
0x0: {  	(pc) =	sbr.rel $0x88, $3  }
0x1: {  	(tag) =	ssettag $0x0;
	lr =	simm.s32 $0x1  }
0x2: {  	[smem:$0x3F9D] =	sst lr;
	_ =	strace $0xD0000000  }
0x3: {  	_ = 	snop  }
0x4: {  	_ = 	snop  }
0x5: {  	_ = 	snop  }
0x6: {  	_ = 	snop  }
0x7: {  	_ = 	snop  }
__scs_overlays_trampoline_lowered:
0x8: {  	[smem:$0x3FAC] =	sst s0  }
0x9: {  	[smem:$0x3FAD] =	sst s1  }
0xa: {  	[smem:$0x3FAE] =	sst s2  }
0xb: {  	[smem:$0x3FAF] =	sst s3  }
0xc: {  	[smem:$0x3FB0] =	sst s4  }
0xd: {  	[smem:$0x3FB1] =	sst s5  }
0xe: {  	[smem:$0x3FB2] =	sst s6  }
0xf: {  	[smem:$0x3FB3] =	sst s7  }
0x10: {  	[smem:$0x3FB4] =	sst s8  }
0x11: {  	[smem:$0x3FB5] =	sst s9;
	s0 =	simm.s32 @!p0 $0x0  }
0x12: {  	s1 =	sld [smem:$0x3F9B];
	s0 =	simm.s32 @p0 $0x1  }
0x13: {  	[smem:$0x3FB6] =	sst s0;
	s0 =	simm.s32 @!p1 $0x0  }
0x14: {  	s2 =	sld [smem:$0x3F9A];
	s0 =	simm.s32 @p1 $0x1  }
0x15: {  	[smem:$0x3FB7] =	sst s0;
	s0 =	simm.s32 @!p2 $0x0  }
0x16: {  	s3 =	sld [smem:$0x3FDB];
	s0 =	simm.s32 @p2 $0x1  }
0x17: {  	s4 =	simm.s32 $0x1BF5;
	[smem:$0x3FB9] =	sst s0  }
0x18: {  	s0 =	sld [smem:$0x3F9C];
	_ =	swait.ge [sflag:s4], $0x0  }
0x19: {  	s7 =	sld [smem:$0x3F9D]  }
0x1a: {  	s8 =	sadd.s32 $0xFFFFE003, lr  }
0x1b: {  	s9 =	sadd.s32 $0xFFFFFEF7, lr;
	s5 =	simm.s32 $0xFFFFFFFF;
	p2 =	slt.u32 s8, $0xFFFFF086  }
0x1c: {  	p1 =	slt.u32 s9, $0xF7A;
	s5 =	simm.s32 @!p2 $0x0  }
0x1d: {  	s5 =	simm.s32 @p1 $0x1;
	p0 =	seq.s32 s7, s2  }
0x1e: {  	s7 =	smul.u32 @!p0 $0xF7A, s2;
	p2 =	seq.s32 @!p0 s5, $0x0  }
0x1f: {  	s9 =	smul.u32 $0xF7A, s1;
	s8 =	simm.s32 @!p0 $0x1BF5;
	p2 =	por !p2, p0  }
0x20: {  	[sflag:s8] =	ssyncset.s32 @!p0 $0xFFFFF086;
	s6 =	sadd.s32 @!p0 s3, s7;
	s7 =	simm.s32 @!p0 $0x108  }
0x21: {  	s3 =	sadd.s32 s3, s9;
	s6 =	sadd.s32 @!p0 $0x88, s6;
	s7 =	simm.s32 @p2 $0x1082  }
0x22: {  	[simem:s7], [sflag:s8] =	dma.local @!p0 [hbm:s6], $0xF7A  }
0x23: {  	s9 =	sor.u32 $0xD0000000, s2;
	s6 =	simm.s32 $0x108;
	_ =	swait.ge @!p0 [sflag:s8], $0x0  }
0x24: {  	s3 =	sadd.s32 $0x88, s3;
	s6 =	simm.s32 @!p1 $0x1082;
	[sflag:s4] =	ssyncset.s32 $0xFFFFF086  }
0x25: {  	[simem:s6], [sflag:s4] =	dma.local [hbm:s3], $0xF7A  }
0x26: {  	[smem:$0x3F9D] =	sst s1;
	(tag) =	ssettag s2;
	_ =	strace s9  }
0x27: {  	s1 =	sld [smem:$0x3FAD]  }
0x28: {  	s2 =	sld [smem:$0x3FAE]  }
0x29: {  	s4 =	sld [smem:$0x3FB0]  }
0x2a: {  	p0 =	seq.s32 s5, $0x0;
	s5 =	sld [smem:$0x3FB1]  }
0x2b: {  	s6 =	sld [smem:$0x3FB2]  }
0x2c: {  	s7 =	sld [smem:$0x3FB3]  }
0x2d: {  	s3 =	simm.s32 $0x108;
	s8 =	sld [smem:$0x3FB4]  }
0x2e: {  	s3 =	simm.s32 @!p0 $0x1082;
	s9 =	sld [smem:$0x3FB5]  }
0x2f: {  	lr =	sadd.s32 s0, s3;
	s0 =	sld [smem:$0x3FAC]  }
0x30: {  	s3 =	sld [smem:$0x3FAF]  }
0x31: {  	[smem:$0x3FB8] =	sst s10  }
0x32: {  	s10 =	sld [smem:$0x3FB6];
	_ =	sdelay $0x3  }
0x33: {  	p0 =	seq.s32 s10, $0x1;
	s10 =	sld [smem:$0x3FB8];
	_ =	sdelay $0x3  }
0x34: {  	[smem:$0x3FB8] =	sst s10  }
0x35: {  	s10 =	sld [smem:$0x3FB7];
	_ =	sdelay $0x3  }
0x36: {  	p1 =	seq.s32 s10, $0x1;
	s10 =	sld [smem:$0x3FB8];
	_ =	sdelay $0x3  }
0x37: {  	[smem:$0x3FB8] =	sst s10  }
0x38: {  	s10 =	sld [smem:$0x3FB9]  }
0x39: {  	_ = 	snop;
	(pc) =	sbr.ind lr, $3  }
0x3a: {  	_ = 	snop  }
0x3b: {  	_ = 	snop  }
0x3c: {  	p2 =	seq.s32 s10, $0x1;
	s10 =	sld [smem:$0x3FB8]  }
0x3d: {  	_ =	shalt  }
0x3e: {  	_ =	shalt  }
0x3f: {  	_ =	shalt  }
0x40: {  	_ =	shalt  }
0x41: {  	_ =	shalt  }
0x42: {  	_ =	shalt  }
0x43: {  	_ =	shalt  }
0x44: {  	_ =	shalt  }
0x45: {  	_ =	shalt  }
0x46: {  	_ =	shalt  }
0x47: {  	_ =	shalt  }
0x48: {  	_ =	shalt  }
0x49: {  	_ =	shalt  }
0x4a: {  	_ =	shalt  }
0x4b: {  	_ =	shalt  }
0x4c: {  	_ =	shalt  }
0x4d: {  	_ =	shalt  }
0x4e: {  	_ =	shalt  }
0x4f: {  	_ =	shalt  }
0x50: {  	_ =	shalt  }
0x51: {  	_ =	shalt  }
0x52: {  	_ =	shalt  }
0x53: {  	_ =	shalt  }
0x54: {  	_ =	shalt  }
0x55: {  	_ =	shalt  }
0x56: {  	_ =	shalt  }
0x57: {  	_ =	shalt  }
0x58: {  	_ =	shalt  }
0x59: {  	_ =	shalt  }
0x5a: {  	_ =	shalt  }
0x5b: {  	_ =	shalt  }
0x5c: {  	_ =	shalt  }
0x5d: {  	_ =	shalt  }
0x5e: {  	_ =	shalt  }
0x5f: {  	_ =	shalt  }
0x60: {  	_ =	shalt  }
0x61: {  	_ =	shalt  }
0x62: {  	_ =	shalt  }
0x63: {  	_ =	shalt  }
0x64: {  	_ =	shalt  }
0x65: {  	_ =	shalt  }
0x66: {  	_ =	shalt  }
0x67: {  	_ =	shalt  }
0x68: {  	_ =	shalt  }
0x69: {  	_ =	shalt  }
0x6a: {  	_ =	shalt  }
0x6b: {  	_ =	shalt  }
0x6c: {  	_ =	shalt  }
0x6d: {  	_ =	shalt  }
0x6e: {  	_ =	shalt  }
0x6f: {  	_ =	shalt  }
0x70: {  	_ =	shalt  }
0x71: {  	_ =	shalt  }
0x72: {  	_ =	shalt  }
0x73: {  	_ =	shalt  }
0x74: {  	_ =	shalt  }
0x75: {  	_ =	shalt  }
0x76: {  	_ =	shalt  }
0x77: {  	_ =	shalt  }
0x78: {  	_ =	shalt  }
0x79: {  	_ =	shalt  }
0x7a: {  	_ =	shalt  }
0x7b: {  	_ =	shalt  }
0x7c: {  	_ =	shalt  }
0x7d: {  	_ =	shalt  }
0x7e: {  	_ =	shalt  }
0x7f: {  	_ =	shalt  }
0x80: {  	_ =	shalt  }
0x81: {  	_ =	shalt  }
0x82: {  	_ =	shalt  }
0x83: {  	_ =	shalt  }
0x84: {  	_ =	shalt  }
0x85: {  	_ =	shalt  }
0x86: {  	_ =	shalt  }
0x87: {  	_ =	shalt  }
.Lfunc_end0:
.L_simem_size_0:
called_computation_lowered:
.L_overlay_start_0:
0x88: {  	s2 =	sld [smem:$0x3FD9]  }
0x89: {  	s3 =	sld [smem:$0x3FFE];
	_ =	sdelay $0x1  }
0x8a: {  	s1 =	srdreg.scid  }
0x8b: {  	s0 =	sand.u32 $0x1, s1  }
0x8c: {  	s14 =	sshll.u32 s0, $0xA;
	s2 =	sadd.s32 s3, s2  }
0x8d: {  	s2 =	sadd.s32 s2, s14  }
0x8e: {  	[smem:$0x3FC4] =	sst s2  }
0x8f: {  	_ = 	snop  }
0x90: {  	s2 =	sld [smem:$0x3FD0];
	_ =	sdelay $0x2  }
0x91: {  	s15 =	simm.s32 $0xA;
	s4 =	simm.s32 $0x10  }
0x92: {  	[smem:s4], [sflag:s15] =	dma.local [hbm:s2], $0x1  }
0x93: {  	_ =	swait.eq [sflag:s15], $0x1  }
0x94: {  	[sflag:s15] =	ssyncset.done $0x0  }
0x95: {  	[sflag:s15] =	ssyncadd.s32 $0xFFFFFFFF  }
0x96: {  	s16 =	sld [smem:$0x11];
	(tm) =	ssettm $0x1  }
0x97: {  	s17 =	sld [smem:$0x3FFB];
	_ =	sdelay $0x3  }
0x98: {  	_ =	strace s17  }
0x99: {  	s3 =	sld [smem:$0x3FFC];
	_ =	sdelay $0x3  }
0x9a: {  	_ =	strace s3  }
0x9b: {  	s3 =	sld [smem:$0x3FFD];
	_ =	sdelay $0x3  }
0x9c: {  	_ =	strace s3  }
0x9d: {  	_ =	strace $0x8FFFFFFF  }
0x9e: {  	s18 =	sld [smem:$0x3FDB];
	_ =	sdelay $0x1  }
0x9f: {  	s19 =	simm.s32 $_scs_section_size  }
0xa0: {  	s5 =	simm.s32 $_size__tile_overlayer_lowered;
	s6 =	simm.s32 $_tile_overlayer_lowered  }
0xa1: {  	s22 =	simm.s32 $0x1BFF;
	s21 =	sshll.u32 s6, $0x1;
	s3 =	sadd.s32 s19, s18  }
0xa2: {  	s7 =	simm.s32 $0x0;
	s20 =	sshll.u32 s5, $0x1;
	s5 =	sadd.s32 s21, s3  }
0xa3: {  	[timem:s7], [sflag:s22] =	dma.local [hbm:s5], s20  }
0xa4: {  	_ =	swait.ge [sflag:s22], s20  }
0xa5: {  	s4 =	ssub.s32 $0x0, s20;
	[sflag:s22] =	ssyncset.done $0x0  }
0xa6: {  	[sflag:s22] =	ssyncadd.s32 s4;
	_ =	sdelay $0x1  }
0xa7: {  	s23 =	simm.s32 $0x1B8B  }
0xa8: {  	_ =	swait.ge [sflag:s23], $0x1  }
0xa9: {  	[sflag:s23] =	ssyncset.done $0x0  }
0xaa: {  	s25 =	simm.s32 $0x1B8E;
	s24 =	sld [smem:$0x3FFE];
	[sflag:s23] =	ssyncadd.s32 $0xFFFFFFFF  }
0xab: {  	s26 =	simm.s32 $execute0_lowered;
	[smem:$0x3FD2] =	sst s25  }
0xac: {  	s5 =	sshll.u32 s26, $0x1;
	_ =	strace $0x80000046;
	[dreg:$0x1] =	wrdreg $0xFFFFFFFF  }
0xad: {  	s28 =	simm.s32 $_size_execute0_lowered;
	s3 =	sadd.s32 s3, s5;
	[dreg:$0x0] =	wrdreg $0x0  }
0xae: {  	s5 =	sshll.u32 s28, $0x1;
	[dreg:$0x2] =	wrdreg s3  }
0xaf: {  	[dreg:$0x3] =	wrdreg s5  }
0xb0: {  	[dreg:$0x4] =	wrdreg $0xC0  }
0xb1: {  	_ =	task [dreg:s7], $0x5FFFF  }
0xb2: {  	[dreg:$0x1] =	wrdreg $0xFFFFFFFF  }
0xb3: {  	[dreg:$0x0] =	wrdreg $0x60  }
0xb4: {  	[dreg:$0x2] =	wrdreg s16  }
0xb5: {  	[dreg:$0x3] =	wrdreg s24  }
0xb6: {  	[dreg:$0x4] =	wrdreg $0x9  }
0xb7: {  	_ =	task.clear_ibuf [dreg:s7], $0x5FFFF;
	_ =	strace $0x90000046  }
0xb8: {  	s29 =	simm.s32 $0x9;
	_ =	strace $0x80000048  }
0xb9: {  	_ =	swait.ge [sflag:s29], $0x1  }
0xba: {  	[sflag:s29] =	ssyncadd.s32 $0xFFFFFFFF  }
0xbb: {  	_ =	strace $0x90000048  }
0xbc: {  	_ =	sfence  }
0xbd: {  	s30 =	sld [smem:$0x0];
	_ =	sdelay $0x2  }
0xbe: {  	s31 =	sshll.u32 s1, $0xD;
	s1 =	sshrl.u32 s1, $0x2  }
0xbf: {  	s3 =	sand.u32 $0x4000, s31;
	s1 =	sadd.s32 s1, s30  }
0xc0: {  	s0 =	sor.u32 s3, s0;
	s1 =	sshll.u32 s1, $0x11  }
0xc1: {  	s0 =	sor.u32 s1, s0  }
0xc2: {  	s0 =	sadd.s32 $0x8F2B, s0  }
0xc3: {  	[sflag:s0] =	ssyncadd.remote.s32 $0x1  }
0xc4: {  	_ =	sfence.sel $0xFFFF  }
0xc5: {  	[dreg:$0x0] =	wrdreg $0xFFFFFFFF;
	(pc) =	sbr.abs _section_cstart, $3  }
0xc6: {  	[dreg:$0x1] =	wrdreg $0xFFFFFFFF  }
0xc7: {  	_ =	task.clear_ibuf [dreg:s7], $0x2FFFF;
	_ =	strace $0x9FFFFFFF  }
0xc8: {  	(tm) =	ssettm $0x7FFFFFFF  }
0xc9: {  	_ =	shalt  }
tec
execute0_lowered:
.L_overlay_start_1:
0x0: {  	(tag) =	ssettag $0x1  }
0x1: {  	s0 =	rddreg [dreg:$0x0]  }
0x2: {  	s1 =	srdreg.scid;
	s11 =	stileid.u32  }
0x3: {  	s4 =	rddreg [dreg:$0x1];
	s2 =	simm.s32 $0x0;
	s12 =	simm.s32 $0x80  }
0x4: {  	s13 =	simm.s32 $0x6400;
	s14 =	simm.s32 $0xA400;
	s6 =	smul.u32 $0xC800, s11  }
0x5: {  	s16 =	simm.s32 $0xE400;
	s17 =	simm.s32 $0x12400;
	s10 =	smul.u32 $0xC8000, s11  }
0x6: {  	s18 =	simm.s32 $0x1;
	s1 =	sand.u32 $0x1, s1;
	s20 =	smul.u32 $0x640000, s11  }
0x7: {  	s19 =	simm.s32 $0x16400;
	s30 =	simm.s32 $0x0;
	s8 =	smul.u32 $0x6400, s1  }
0x8: {  	s3 =	sshll.u32 s11, $0x1;
	[smem:$0x7FF] =	sst s2;
	s22 =	smul.u32 $0x320000, s1  }
0x9: {  	s3 =	sor.u32 s1, s3;
	s7 =	ssub.s32 $0x2, s1;
	s1 =	smul.u32 $0x64000, s1  }
0xa: {  	_ =	strace $0x80000047;
	s5 =	smul.u32 $0x6400, s3;
	s9 =	sshrl.u32 s7, $0x1  }
0xb: {  	s3 =	sadd.s32 $0xF43200, s4;
	s4 =	sadd.s32 $0xE00, s4;
	s7 =	ssub.s32 s7, s9  }
0xc: {  	s21 =	sadd.s32 s8, s6;
	s24 =	sadd.s32 s10, s4;
	s23 =	smax.u32 s7, $0x1  }
0xd: {  	s5 =	sshrl.u32 s5, $0x3;
	s25 =	sadd.s32 s1, s24;
	[dreg:$0x4] =	wrdreg s23  }
0xe: {  	s0 =	sadd.s32 s0, s5;
	s5 =	sadd.s32 s22, s20;
	[dreg:$0x6] =	wrdreg s25  }
0xf: {  	s20 =	simm.s32 $0x2;
	s22 =	simm.s32 $0x4;
	s23 =	simm.s32 $0x5  }
0x10: {  	[dreg:$0x3] =	wrdreg s0;
	s0 =	sshll.u32 s21, $0x4;
	s26 =	sor.u32 $0x10000, s5  }
0x11: {  	s28 =	sor.u32 $0xC000, s5;
	s5 =	sor.u32 $0x4000, s5;
	s0 =	sadd.s32 s0, s4  }
0x12: {  	s21 =	simm.s32 $0x3;
	s29 =	sshrl.u32 s28, $0x3;
	s0 =	sadd.s32 $0x1000, s0  }
0x13: {  	s31 =	sshrl.u32 s5, $0x3;
	[dreg:$0x5] =	wrdreg s0;
	s0 =	sshrl.u32 s26, $0x3  }
0x14: {  	s9 =	sadd.s32 s29, s4;
	s10 =	sadd.s32 s31, s4;
	s24 =	sadd.s32 s0, s4  }
.LBB2_1:
0x15: {  	s0 =	rddreg [dreg:$0x3];
	s26 =	simm.s32 $0xB  }
0x16: {  	[tilespmem:s2], [sflag:$0xB] =	stream.linear.gather [hbm4b:s0+s2], $0x6400, $0x38;
	[tilespmem:$0x1A400] =	vst v63  }
0x17: {  	_ =	swait.ge [sflag:s26], $0x6400  }
0x18: {  	[sflag:s26] =	ssyncset.done $0x0  }
0x19: {  	[sflag:s26] =	ssyncadd.s32 $0xFFFF9C00  }
0x1a: {  	[tilespmem:s13], [sflag:$0x1] =	stream.indirect.gather [hbm4b:s3+s12], $0x80, s2, s12, $0xb8;
	[tilespmem:$0x1A400] =	vst v63  }
0x1b: {  	p0 =	por $0x1, $0x1  }
0x1c: {  	[tilespmem:s14], [sflag:$0x2] =	stream.indirect.gather [hbm4b:s3+s12], $0x80, s12, s12, $0xb8;
	[tilespmem:$0x1A400] =	vst v63  }
0x1d: {  	s28 =	simm.s32 $0x100;
	s0 =	simm.s32 @!p0 $0x9  }
0x1e: {  	[tilespmem:s16], [sflag:$0x3] =	stream.indirect.gather [hbm4b:s3+s12], $0x80, s28, s12, $0xb8;
	[tilespmem:$0x1A400] =	vst v63  }
0x1f: {  	_ =	swait.ge @!p0 [sflag:s0], $0x4000  }
0x20: {  	[sflag:s0] =	ssyncset.done @!p0 $0x0  }
0x21: {  	s1 =	simm.s32 $0x180;
	[sflag:s0] =	ssyncadd.s32 @!p0 $0xFFFFC000  }
0x22: {  	[tilespmem:s17], [sflag:$0x4] =	stream.indirect.gather [hbm4b:s3+s12], $0x80, s1, s12, $0xb8;
	[tilespmem:$0x1A400] =	vst v63  }
0x23: {  	_ =	swait.ge [sflag:s18], $0x4000  }
0x24: {  	[sflag:s18] =	ssyncset.done $0x0  }
0x25: {  	s0 =	simm.s32 @!p0 $0xA;
	s7 =	rddreg [dreg:$0x6];
	[sflag:s18] =	ssyncadd.s32 $0xFFFFC000  }
0x26: {  	[hbm4b:s7+s2] =	stream.linear.scatter [tilespmem:s13], [sflag:$0x6], $0x4000, $0x38;
	[tilespmem:$0x1A400] =	vst v63  }
0x27: {  	_ =	swait.ge @!p0 [sflag:s0], $0x4000  }
0x28: {  	[sflag:s0] =	ssyncset.done @!p0 $0x0  }
0x29: {  	s29 =	simm.s32 $0x200;
	[sflag:s0] =	ssyncadd.s32 @!p0 $0xFFFFC000  }
0x2a: {  	[tilespmem:s19], [sflag:$0x5] =	stream.indirect.gather [hbm4b:s3+s12], $0x80, s29, s12, $0xb8;
	[tilespmem:$0x1A400] =	vst v63  }
0x2b: {  	_ =	swait.ge [sflag:s20], $0x4000  }
0x2c: {  	p0 =	por $0x0, $0x0;
	[sflag:s20] =	ssyncset.done $0x0  }
0x2d: {  	s0 =	simm.s32 @!p0 $0x6;
	[sflag:s20] =	ssyncadd.s32 $0xFFFFC000  }
0x2e: {  	[hbm4b:s10+s2] =	stream.linear.scatter [tilespmem:s14], [sflag:$0x7], $0x4000, $0x38;
	[tilespmem:$0x1A400] =	vst v63  }
0x2f: {  	_ =	swait.ge @!p0 [sflag:s0], $0x4000  }
0x30: {  	s1 =	simm.s32 @!p0 $0x280;
	[sflag:s0] =	ssyncset.done @!p0 $0x0  }
0x31: {  	s5 =	simm.s32 @!p0 $0x80;
	s4 =	simm.s32 @!p0 $0x6400;
	[sflag:s0] =	ssyncadd.s32 @!p0 $0xFFFFC000  }
0x32: {  	[tilespmem:s4], [sflag:$0x1] =	stream.indirect.gather @!p0 [hbm4b:s3+s5], $0x80, s1, s5, $0xb8;
	[tilespmem:$0x1A400] =	vst v63  }
0x33: {  	_ =	swait.ge [sflag:s21], $0x4000  }
0x34: {  	[sflag:s21] =	ssyncset.done $0x0  }
0x35: {  	s0 =	simm.s32 @!p0 $0x7;
	s6 =	rddreg [dreg:$0x5];
	[sflag:s21] =	ssyncadd.s32 $0xFFFFC000  }
0x36: {  	[hbm4b:s6+s2] =	stream.linear.scatter [tilespmem:s16], [sflag:$0x8], $0x4000, $0x38;
	[tilespmem:$0x1A400] =	vst v63  }
0x37: {  	_ =	swait.ge @!p0 [sflag:s0], $0x4000  }
0x38: {  	[sflag:s0] =	ssyncset.done @!p0 $0x0  }
0x39: {  	s1 =	simm.s32 @!p0 $0x300;
	s4 =	simm.s32 @!p0 $0xA400;
	[sflag:s0] =	ssyncadd.s32 @!p0 $0xFFFFC000  }
0x3a: {  	[tilespmem:s4], [sflag:$0x2] =	stream.indirect.gather @!p0 [hbm4b:s3+s5], $0x80, s1, s5, $0xb8;
	[tilespmem:$0x1A400] =	vst v63  }
0x3b: {  	_ =	swait.ge [sflag:s22], $0x4000  }
0x3c: {  	[sflag:s22] =	ssyncset.done $0x0  }
0x3d: {  	s0 =	simm.s32 @!p0 $0x8;
	[sflag:s22] =	ssyncadd.s32 $0xFFFFC000  }
0x3e: {  	[hbm4b:s9+s2] =	stream.linear.scatter [tilespmem:s17], [sflag:$0x9], $0x4000, $0x38;
	[tilespmem:$0x1A400] =	vst v63  }
0x3f: {  	s11 =	simm.s32 $0x1400;
	s15 =	sadd.s32 $0x2800, s10;
	_ =	swait.ge @!p0 [sflag:s0], $0x4000  }
0x40: {  	s31 =	sadd.s32 $0x2800, s24;
	p1 =	por $0x0, $0x0;
	[sflag:s0] =	ssyncset.done @!p0 $0x0  }
0x41: {  	s8 =	simm.s32 @!p0 $0xE400;
	s1 =	simm.s32 @!p0 $0x380;
	[sflag:s0] =	ssyncadd.s32 @!p0 $0xFFFFC000  }
0x42: {  	[tilespmem:s8], [sflag:$0x3] =	stream.indirect.gather @!p0 [hbm4b:s3+s5], $0x80, s1, s5, $0xb8;
	[tilespmem:$0x1A400] =	vst v63  }
0x43: {  	s4 =	simm.s32 $0xA00;
	s0 =	sadd.s32 $0x2800, s6;
	s1 =	sadd.s32 $0x2800, s9  }
0x44: {  	s5 =	sadd.s32 $0x2800, s7;
	s8 =	smov.u32 s24;
	_ =	swait.ge [sflag:s23], $0x4000  }
.LBB2_2:
0x45: {  	s25 =	simm.s32 @!p1 $0x9  }
0x46: {  	[sflag:s23] =	ssyncset.done $0x0;
	s26 =	smov.u32 s11;
	s11 =	sadd.s32 $0xA00, s11  }
0x47: {  	p0 =	sne.s32 s11, $0x19000;
	[sflag:s23] =	ssyncadd.s32 $0xFFFFC000  }
0x48: {  	[hbm4b:s8+s2] =	stream.linear.scatter [tilespmem:s19], [sflag:$0xA], $0x4000, $0x38;
	[tilespmem:$0x1A400] =	vst v63  }
0x49: {  	s28 =	sshra.s32 s4, $0x2;
	s8 =	smov.u32 s31;
	_ =	swait.ge @!p1 [sflag:s25], $0x4000  }
0x4a: {  	s29 =	sadd.s32 $0x180, s28;
	[sflag:s25] =	ssyncset.done @!p1 $0x0  }
0x4b: {  	[sflag:s25] =	ssyncadd.s32 @!p1 $0xFFFFC000  }
0x4c: {  	[tilespmem:s17], [sflag:$0x4] =	stream.indirect.gather [hbm4b:s3+s12], $0x80, s29, s12, $0xb8;
	[tilespmem:$0x1A400] =	vst v63  }
0x4d: {  	_ =	swait.ge [sflag:s18], $0x4000  }
0x4e: {  	s25 =	simm.s32 @!p1 $0xA;
	[sflag:s18] =	ssyncset.done $0x0  }
0x4f: {  	[sflag:s18] =	ssyncadd.s32 $0xFFFFC000  }
0x50: {  	[hbm4b:s5+s2] =	stream.linear.scatter [tilespmem:s13], [sflag:$0x6], $0x4000, $0x38;
	[tilespmem:$0x1A400] =	vst v63  }
0x51: {  	_ =	swait.ge @!p1 [sflag:s25], $0x4000  }
0x52: {  	s28 =	sadd.s32 $0x200, s28;
	[sflag:s25] =	ssyncset.done @!p1 $0x0  }
0x53: {  	[sflag:s25] =	ssyncadd.s32 @!p1 $0xFFFFC000  }
0x54: {  	[tilespmem:s19], [sflag:$0x5] =	stream.indirect.gather [hbm4b:s3+s12], $0x80, s28, s12, $0xb8;
	[tilespmem:$0x1A400] =	vst v63  }
0x55: {  	_ =	swait.ge [sflag:s20], $0x4000  }
0x56: {  	p1 =	seq.s32 s4, $0x18600;
	[sflag:s20] =	ssyncset.done $0x0  }
0x57: {  	s25 =	simm.s32 @!p1 $0x6;
	s4 =	sshra.s32 @!p1 s4, $0x2;
	[sflag:s20] =	ssyncadd.s32 $0xFFFFC000  }
0x58: {  	[hbm4b:s15+s2] =	stream.linear.scatter [tilespmem:s14], [sflag:$0x7], $0x4000, $0x38;
	[tilespmem:$0x1A400] =	vst v63  }
0x59: {  	s28 =	sadd.s32 @!p1 $0x280, s4;
	s29 =	sadd.s32 @!p1 $0x300, s4;
	_ =	swait.ge @!p1 [sflag:s25], $0x4000  }
0x5a: {  	s6 =	simm.s32 @!p1 $0x80;
	s7 =	simm.s32 @!p1 $0x6400;
	[sflag:s25] =	ssyncset.done @!p1 $0x0  }
0x5b: {  	[sflag:s25] =	ssyncadd.s32 @!p1 $0xFFFFC000;
	s25 =	sadd.s32 @!p1 $0x380, s4;
	s4 =	smov.u32 s26  }
0x5c: {  	[tilespmem:s7], [sflag:$0x1] =	stream.indirect.gather @!p1 [hbm4b:s3+s6], $0x80, s28, s6, $0xb8;
	[tilespmem:$0x1A400] =	vst v63  }
0x5d: {  	_ =	swait.ge [sflag:s21], $0x4000  }
0x5e: {  	[sflag:s21] =	ssyncset.done $0x0  }
0x5f: {  	s7 =	simm.s32 @!p1 $0x7;
	[sflag:s21] =	ssyncadd.s32 $0xFFFFC000  }
0x60: {  	[hbm4b:s0+s2] =	stream.linear.scatter [tilespmem:s16], [sflag:$0x8], $0x4000, $0x38;
	[tilespmem:$0x1A400] =	vst v63  }
0x61: {  	_ =	swait.ge @!p1 [sflag:s7], $0x4000  }
0x62: {  	s26 =	simm.s32 @!p1 $0xA400;
	[sflag:s7] =	ssyncset.done @!p1 $0x0  }
0x63: {  	[sflag:s7] =	ssyncadd.s32 @!p1 $0xFFFFC000  }
0x64: {  	[tilespmem:s26], [sflag:$0x2] =	stream.indirect.gather @!p1 [hbm4b:s3+s6], $0x80, s29, s6, $0xb8;
	[tilespmem:$0x1A400] =	vst v63  }
0x65: {  	_ =	swait.ge [sflag:s22], $0x4000  }
0x66: {  	[sflag:s22] =	ssyncset.done $0x0  }
0x67: {  	s7 =	simm.s32 @!p1 $0x8;
	[sflag:s22] =	ssyncadd.s32 $0xFFFFC000  }
0x68: {  	[hbm4b:s1+s2] =	stream.linear.scatter [tilespmem:s17], [sflag:$0x9], $0x4000, $0x38;
	[tilespmem:$0x1A400] =	vst v63  }
.Ltmp0:
0x69: {  	s15 =	sadd.s32 $0x2800, s15;
	_ =	swait.ge @!p1 [sflag:s7], $0x4000;
	(pc) =	sbr.rel @p0 .LBB2_2-.Ltmp0, $4  }
0x6a: {  	s26 =	simm.s32 @!p1 $0xE400;
	s1 =	sadd.s32 $0x2800, s1;
	[sflag:s7] =	ssyncset.done @!p1 $0x0  }
0x6b: {  	s31 =	sadd.s32 $0x2800, s31;
	s5 =	sadd.s32 $0x2800, s5;
	[sflag:s7] =	ssyncadd.s32 @!p1 $0xFFFFC000  }
0x6c: {  	[tilespmem:s26], [sflag:$0x3] =	stream.indirect.gather @!p1 [hbm4b:s3+s6], $0x80, s25, s6, $0xb8;
	[tilespmem:$0x1A400] =	vst v63  }
0x6d: {  	s0 =	sadd.s32 $0x2800, s0;
	p1 =	seq.s32 s4, $0x0;
	_ =	swait.ge [sflag:s23], $0x4000  }
0x6e: {  	[sflag:s23] =	ssyncset.done $0x0  }
0x6f: {  	s6 =	simm.s32 @!p1 $0x9;
	[sflag:s23] =	ssyncadd.s32 $0xFFFFC000  }
0x70: {  	[hbm4b:s8+s2] =	stream.linear.scatter [tilespmem:s19], [sflag:$0xA], $0x4000, $0x38;
	[tilespmem:$0x1A400] =	vst v63  }
0x71: {  	_ =	swait.ge @!p1 [sflag:s6], $0x4000  }
0x72: {  	s7 =	sshra.s32 s4, $0x2;
	[sflag:s6] =	ssyncset.done @!p1 $0x0  }
0x73: {  	s8 =	sadd.s32 $0x180, s7;
	[sflag:s6] =	ssyncadd.s32 @!p1 $0xFFFFC000  }
0x74: {  	[tilespmem:s17], [sflag:$0x4] =	stream.indirect.gather [hbm4b:s3+s12], $0x80, s8, s12, $0xb8;
	[tilespmem:$0x1A400] =	vst v63  }
0x75: {  	_ =	swait.ge [sflag:s18], $0x4000  }
0x76: {  	[sflag:s18] =	ssyncset.done $0x0  }
0x77: {  	[sflag:s18] =	ssyncadd.s32 $0xFFFFC000  }
0x78: {  	[hbm4b:s5+s2] =	stream.linear.scatter [tilespmem:s13], [sflag:$0x6], $0x4000, $0x38;
	[tilespmem:$0x1A400] =	vst v63  }
0x79: {  	s5 =	simm.s32 @!p1 $0xA  }
0x7a: {  	_ =	swait.ge @!p1 [sflag:s5], $0x4000  }
0x7b: {  	[sflag:s5] =	ssyncset.done @!p1 $0x0  }
0x7c: {  	s11 =	sadd.s32 $0x200, s7;
	[sflag:s5] =	ssyncadd.s32 @!p1 $0xFFFFC000  }
0x7d: {  	[tilespmem:s19], [sflag:$0x5] =	stream.indirect.gather [hbm4b:s3+s12], $0x80, s11, s12, $0xb8;
	[tilespmem:$0x1A400] =	vst v63  }
0x7e: {  	_ =	swait.ge [sflag:s20], $0x4000  }
0x7f: {  	p0 =	seq.s32 s4, $0x18600;
	[sflag:s20] =	ssyncset.done $0x0  }
0x80: {  	s5 =	simm.s32 @!p0 $0x6;
	[sflag:s20] =	ssyncadd.s32 $0xFFFFC000  }
0x81: {  	[hbm4b:s15+s2] =	stream.linear.scatter [tilespmem:s14], [sflag:$0x7], $0x4000, $0x38;
	[tilespmem:$0x1A400] =	vst v63  }
0x82: {  	_ =	swait.ge @!p0 [sflag:s5], $0x4000  }
0x83: {  	s4 =	sshra.s32 @!p0 s4, $0x2;
	s7 =	simm.s32 @!p0 $0x80;
	[sflag:s5] =	ssyncset.done @!p0 $0x0  }
0x84: {  	s6 =	sadd.s32 @!p0 $0x280, s4;
	[sflag:s5] =	ssyncadd.s32 @!p0 $0xFFFFC000;
	s5 =	simm.s32 @!p0 $0x6400  }
0x85: {  	[tilespmem:s5], [sflag:$0x1] =	stream.indirect.gather @!p0 [hbm4b:s3+s7], $0x80, s6, s7, $0xb8;
	[tilespmem:$0x1A400] =	vst v63  }
0x86: {  	_ =	swait.ge [sflag:s21], $0x4000  }
0x87: {  	[sflag:s21] =	ssyncset.done $0x0  }
0x88: {  	s5 =	simm.s32 @!p0 $0x7;
	[sflag:s21] =	ssyncadd.s32 $0xFFFFC000  }
0x89: {  	[hbm4b:s0+s2] =	stream.linear.scatter [tilespmem:s16], [sflag:$0x8], $0x4000, $0x38;
	[tilespmem:$0x1A400] =	vst v63  }
0x8a: {  	_ =	swait.ge @!p0 [sflag:s5], $0x4000  }
0x8b: {  	[sflag:s5] =	ssyncset.done @!p0 $0x0  }
0x8c: {  	s0 =	sadd.s32 @!p0 $0x300, s4;
	[sflag:s5] =	ssyncadd.s32 @!p0 $0xFFFFC000;
	s5 =	simm.s32 @!p0 $0xA400  }
0x8d: {  	[tilespmem:s5], [sflag:$0x2] =	stream.indirect.gather @!p0 [hbm4b:s3+s7], $0x80, s0, s7, $0xb8;
	[tilespmem:$0x1A400] =	vst v63  }
0x8e: {  	_ =	swait.ge [sflag:s22], $0x4000  }
0x8f: {  	[sflag:s22] =	ssyncset.done $0x0  }
0x90: {  	s0 =	simm.s32 @!p0 $0x8;
	[sflag:s22] =	ssyncadd.s32 $0xFFFFC000  }
0x91: {  	[hbm4b:s1+s2] =	stream.linear.scatter [tilespmem:s17], [sflag:$0x9], $0x4000, $0x38;
	[tilespmem:$0x1A400] =	vst v63  }
0x92: {  	_ =	swait.ge @!p0 [sflag:s0], $0x4000  }
0x93: {  	[sflag:s0] =	ssyncset.done @!p0 $0x0  }
0x94: {  	s1 =	sadd.s32 @!p0 $0x380, s4;
	[sflag:s0] =	ssyncadd.s32 @!p0 $0xFFFFC000;
	s0 =	simm.s32 @!p0 $0xE400  }
0x95: {  	[tilespmem:s0], [sflag:$0x3] =	stream.indirect.gather @!p0 [hbm4b:s3+s7], $0x80, s1, s7, $0xb8;
	[tilespmem:$0x1A400] =	vst v63  }
0x96: {  	_ =	swait.ge [sflag:s23], $0x4000  }
0x97: {  	[sflag:s23] =	ssyncset.done $0x0  }
0x98: {  	s15 =	simm.s32 $0x6;
	[sflag:s23] =	ssyncadd.s32 $0xFFFFC000  }
0x99: {  	[hbm4b:s31+s2] =	stream.linear.scatter [tilespmem:s19], [sflag:$0xA], $0x4000, $0x38;
	[tilespmem:$0x1A400] =	vst v63  }
0x9a: {  	_ =	swait.ge [sflag:s15], $0x4000  }
0x9b: {  	[sflag:s15] =	ssyncset.done $0x0  }
0x9c: {  	s25 =	simm.s32 $0x7;
	[sflag:s15] =	ssyncadd.s32 $0xFFFFC000  }
0x9d: {  	_ =	swait.ge [sflag:s25], $0x4000  }
0x9e: {  	[sflag:s25] =	ssyncset.done $0x0  }
0x9f: {  	s26 =	simm.s32 $0x8;
	[sflag:s25] =	ssyncadd.s32 $0xFFFFC000  }
0xa0: {  	_ =	swait.ge [sflag:s26], $0x4000  }
0xa1: {  	[sflag:s26] =	ssyncset.done $0x0  }
0xa2: {  	s28 =	simm.s32 $0x9;
	[sflag:s26] =	ssyncadd.s32 $0xFFFFC000  }
0xa3: {  	_ =	swait.ge [sflag:s28], $0x4000  }
0xa4: {  	[sflag:s28] =	ssyncset.done $0x0  }
0xa5: {  	s29 =	simm.s32 $0xA;
	[sflag:s28] =	ssyncadd.s32 $0xFFFFC000  }
0xa6: {  	_ =	swait.ge [sflag:s29], $0x4000  }
0xa7: {  	s30 =	sadd.s32 $0x1, s30;
	s31 =	rddreg [dreg:$0x4]  }
0xa8: {  	p0 =	sne.s32 s30, s31  }
.Ltmp1:
0xa9: {  	_ = 	snop;
	(pc) =	sbr.rel @p0 .LBB2_1-.Ltmp1, $3  }
0xaa: {  	_ =	sdelay $0x1  }
0xab: {  	[sflag:s29] =	ssyncset.done $0x0  }
0xac: {  	[sflag:s29] =	ssyncadd.s32 $0xFFFFC000  }
0xad: {  	_ =	sfence.sel $0x180000  }
0xae: {  	[bflag:$0x0] =	sbarrier.arrive $0xFFFF  }
0xaf: {  	_ =	strace $0x90000047  }
0xb0: {  	s0 =	stileid.u32;
	[bflag:$0x2] =	sbarrier.arrive $0xFFFF  }
0xb1: {  	p0 =	sne.s32 s0, $0x0;
	s0 =	rddreg [dreg:$0x2]  }
0xb2: {  	s0 =	sadd.s32 @!p0 $0x100000, s0  }
0xb3: {  	[sflag:s0] =	ssyncadd.tile.s32 @!p0 $0x1;
	_ =	shalt  }
.Lfunc_end2:
_tile_overlayer_lowered:
.L_overlay_start_2:
0xb4: {  	(tag) =	ssettag $0x2  }
0xb5: {  	s0 =	rddreg [dreg:$0x0];
	s2 =	stileid.u32  }
0xb6: {  	s1 =	rddreg [dreg:$0x1];
	p0 =	sne.s32 s2, $0x0  }
0xb7: {  	s3 =	rddreg [dreg:$0x2];
	[bflag:$0x3] =	sbarrier.arrive $0xFFFF;
	s2 =	simm.s32 @!p0 $0x1C0C  }
0xb8: {  	[timem:s3], [sflag:s2] =	dma.local @!p0 [hbm:s0], s1  }
0xb9: {  	s0 =	simm.s32 @!p0 $0xC  }
0xba: {  	_ =	swait.ge @!p0 [sflag:s0], s1  }
0xbb: {  	s1 =	ssub.s32 @!p0 $0x0, s1;
	[sflag:s0] =	ssyncset.done @!p0 $0x0  }
0xbc: {  	[sflag:s0] =	ssyncadd.s32 @!p0 s1  }
0xbd: {  	[bflag:$0x3] =	sbarrier.arrive $0xFFFF  }
0xbe: {  	_ =	shalt  }

</sc_bundles>
